<compile_context>
chip_gen: v7x
topology: tpu7x:2x2x1
jax: 0.10.2.dev20260603
libtpu: 0.0.44.dev20260713+nightly
codegen_flags: <defaults>
</compile_context>

<pallas_src>
import functools

import jax
import jax.numpy as jnp
from jax import lax
from jax.experimental import pallas as pl
from jax.experimental.pallas import tpu as pltpu
from jax.experimental.pallas import tpu_sc as plsc

_N_FRAMES = 64
_SPF = 96
_MOLS = 32
_COULOMB_K = 332.0637
_NW = 32
_FPW = _N_FRAMES // _NW
_L = 16


def _sc_energy(combined):
    mesh = plsc.VectorSubcoreMesh(core_axis_name="c", subcore_axis_name="s")
    npf = _FPW * _SPF
    nin = 3 * npf + 9 * _SPF
    tb = 3 * npf

    @functools.partial(
        pl.kernel,
        out_type=jax.ShapeDtypeStruct((_NW, _FPW * _L), jnp.float32),
        mesh=mesh,
        scratch_types=[
            pltpu.VMEM((nin + _L,), jnp.float32),
            pltpu.VMEM((_FPW * _L,), jnp.float32),
            pltpu.SemaphoreType.DMA,
        ],
    )
    def body(in_hbm, out_hbm, pv, ov, sem):
        wid = lax.axis_index("s") * 2 + lax.axis_index("c")
        pltpu.async_copy(in_hbm.at[pl.ds(wid * nin, nin)],
                         pv.at[pl.ds(0, nin)], sem).wait()

        lane = lax.iota(jnp.int32, _L)

        def frame_loop(f, _):
            fb = f * _SPF

            def chunk_loop(c, acc):
                co = c * _L
                xj = pv[pl.ds(fb + co, _L)]
                yj = pv[pl.ds(npf + fb + co, _L)]
                zj = pv[pl.ds(2 * npf + fb + co, _L)]
                jg = lane + co

                def mol_body(m, acc):
                    mvx = pv[pl.ds(fb + 3 * m, _L)]
                    mvy = pv[pl.ds(npf + fb + 3 * m, _L)]
                    mvz = pv[pl.ds(2 * npf + fb + 3 * m, _L)]
                    keep = jg >= 3 * m + 3
                    for a in range(3):
                        dx = xj - mvx[a]
                        dy = yj - mvy[a]
                        dz = zj - mvz[a]
                        d2 = dx * dx + dy * dy + dz * dz
                        ib = lax.bitcast_convert_type(d2, jnp.int32)
                        yb = lax.bitcast_convert_type(
                            0x5F3759DF - (ib >> 1), jnp.float32)
                        h = 0.5 * d2
                        for _ in range(2):
                            yb = yb * (1.5 - h * yb * yb)
                        inv = yb * yb
                        inv3 = inv * inv * inv
                        x6 = pv[pl.ds(tb + (3 + a) * _SPF + co, _L)] * inv3
                        en = pv[pl.ds(tb + (6 + a) * _SPF + co, _L)] * (
                            x6 * x6 - x6)
                        en = en + pv[pl.ds(tb + a * _SPF + co, _L)] * yb
                        acc = acc + jnp.where(keep, en, 0.0)
                    return acc

                nmol = 5 * c + jnp.where(c >= 3, 1, 0) + 5
                return lax.fori_loop(0, nmol, mol_body, acc)

            acc = lax.fori_loop(0, _SPF // _L, chunk_loop,
                                jnp.zeros((_L,), jnp.float32))
            ov[pl.ds(f * _L, _L)] = acc
            return 0

        lax.fori_loop(0, _FPW, frame_loop, 0)
        plsc.subcore_barrier()
        pltpu.sync_copy(ov, out_hbm.at[wid])

    return body(combined)


def kernel(pos, lj_params, coulomb_params, sites_batch, sites_mol):
    pos = pos.astype(jnp.float32)
    q = coulomb_params[:, 0].astype(jnp.float32)
    qq = _COULOMB_K * (q[:, None] * q[None, :])
    s = lj_params[:, 0].astype(jnp.float32)
    e = lj_params[:, 1].astype(jnp.float32)
    sig = 0.5 * (s[:, None] + s[None, :])
    sig6 = sig ** 6
    eps4 = 4.0 * jnp.sqrt(e[:, None] * e[None, :])
    qq_rows = jnp.tile(2.0 * qq, (1, _MOLS)).reshape(-1)
    s6_rows = jnp.tile(sig6, (1, _MOLS)).reshape(-1)
    e4_rows = jnp.tile(2.0 * eps4, (1, _MOLS)).reshape(-1)
    tables = jnp.concatenate([qq_rows, s6_rows, e4_rows])
    coords = pos.reshape(_NW, _FPW * _SPF, 3).transpose(0, 2, 1)
    combined = jnp.concatenate(
        [coords.reshape(_NW, -1),
         jnp.broadcast_to(tables, (_NW, tables.shape[0]))], axis=1).reshape(-1)
    out = _sc_energy(combined)
    return out.reshape(_N_FRAMES, _L).sum(axis=1, keepdims=True)

# --- scband reference (transcript-rebuilt; emitter-appended) ---
"""Pipeline reference for scband-tip3p-like-50663434224255 (READ-ONLY COPY).

The authoritative reference and input builder live on the scoring server;
editing this copy changes nothing except your own understanding.
"""

import jax, jax.numpy as jnp
import numpy as np

N_FRAMES = 64
MOLS_PER_FRAME = 32
ATOMS_PER_MOL = 3
N_MOLS = N_FRAMES * MOLS_PER_FRAME
N_SITES = N_MOLS * ATOMS_PER_MOL
COULOMB_K = 332.0637
N_PAIRS = N_FRAMES * ((MOLS_PER_FRAME * ATOMS_PER_MOL) ** 2 - MOLS_PER_FRAME * ATOMS_PER_MOL ** 2)

def setup_inputs(seed: int = 0):
    key = jax.random.key(seed)
    k1, k2 = jax.random.split(key, 2)
    # positions spread in a 40x40x40 box so pair distances stay numerically sane
    pos = jax.random.uniform(k1, (N_SITES, 3), dtype=jnp.float32) * 40.0
    u = jax.random.uniform(k2, (ATOMS_PER_MOL, 2), dtype=jnp.float32)
    sigma = 0.8 + 0.4 * u[:, 0:1]
    eps = 0.05 + 0.15 * u[:, 1:2]
    lj_params = jnp.concatenate([sigma, eps], axis=1)  # learned AtomCenteredStatic params [3, 2]
    coulomb_params = jnp.array([[-0.834], [0.417], [0.417]], dtype=jnp.float32)  # [3, 1] TIP3P-like charges
    site_idx = jnp.arange(N_SITES)
    sites_batch = (site_idx // (MOLS_PER_FRAME * ATOMS_PER_MOL)).astype(jnp.int32)  # frame id per site
    sites_mol = (site_idx // ATOMS_PER_MOL).astype(jnp.int32)  # global molecule id per site
    return {"pos": pos, "lj_params": lj_params, "coulomb_params": coulomb_params,
            "sites_batch": sites_batch, "sites_mol": sites_mol}

def _pairs(sites_batch, sites_mol):
    same_frame = sites_batch[:, None] == sites_batch[None, :]
    diff_mol = sites_mol[:, None] != sites_mol[None, :]
    idx_i, idx_j = jnp.nonzero(same_frame & diff_mol, size=N_PAIRS)
    return idx_i, idx_j

def _energy(pos, lj_params, coulomb_params, sites_batch, idx_i, idx_j):
    # AtomCenteredStatic: tile per-atom learned params across all molecules
    coul_site_params = jnp.tile(coulomb_params, (N_MOLS, 1))  # [N_SITES, 1]
    lj_site_params = jnp.tile(lj_params, (N_MOLS, 1))         # [N_SITES, 2]
    d = jnp.linalg.norm(pos[idx_i] - pos[idx_j], axis=1)      # [P]
    pair_frame = sites_batch[idx_i]
    # Coulomb: k*q1*q2/r, scatter-summed per frame
    q1 = coul_site_params[idx_i, 0]
    q2 = coul_site_params[idx_j, 0]
    coul_contribs = COULOMB_K * q1 * q2 / d
    coul_energy = jax.ops.segment_sum(coul_contribs, pair_frame, num_segments=N_FRAMES)[:, None]
    # Lennard-Jones with Lorentz-Berthelot combining rules
    p1 = lj_site_params[idx_i]
    p2 = lj_site_params[idx_j]
    sigma = 0.5 * (p1[:, 0] + p2[:, 0])
    eps = jnp.sqrt(p1[:, 1] * p2[:, 1])
    sr6 = (sigma / d) ** 6
    lj_contribs = 4.0 * eps * (sr6 * sr6 - sr6)
    lj_energy = jax.ops.segment_sum(lj_contribs, pair_frame, num_segments=N_FRAMES)[:, None]
    return coul_energy + lj_energy

def reference(pos, lj_params, coulomb_params, sites_batch, sites_mol):
    idx_i, idx_j = _pairs(sites_batch, sites_mol)
    return _energy(pos, lj_params, coulomb_params, sites_batch, idx_i, idx_j)

if __name__ == "__main__":
    import jax
    _d = setup_inputs()
    print(jax.jit(kernel)(*tuple(_d.values())))

</pallas_src>

<mosaic_0001>
#map = affine_map<(d0, d1) -> (0)>
#map1 = affine_map<(d0, d1) -> (0, 0)>
module attributes {stable_mosaic.version = 14 : i64} {
  func.func @body(%arg0: i32, %arg1: i32, %arg2: memref<46080xf32, #tpu.memory_space<hbm>>, %arg3: memref<32x32xf32, #tpu.memory_space<hbm>>, %arg4: memref<1456xf32, #tpu.memory_space<vmem>>, %arg5: memref<32xf32, #tpu.memory_space<vmem>>, %arg6: memref<!tpu.dma_semaphore, #tpu.memory_space<semaphore_mem>>) attributes {dimension_semantics = [#tpu.dimension_semantics<core_parallel>, #tpu.dimension_semantics<subcore_parallel>], iteration_bounds = array<i64: 2, 16>, scalar_prefetch = 0 : i64, scratch_operands = 3 : i64, tpu.core_type = #tpu.core_type<sc_vector_subcore>, window_params = [{transform_indices = #map}, {transform_indices = #map1}]} {
    %mul3A = arith.constant 2 : i32
    %mul3A_0 = arith.muli %arg1, %mul3A : i32
    %add3A = arith.addi %mul3A_0, %arg0 : i32
    %mul3A_1 = arith.constant 1440 : i32
    %mul3A_2 = arith.muli %add3A, %mul3A_1 : i32
    %dma_start3A = arith.constant 0 : i32
    %dma_start3A_3 = tpu.memref_slice %arg4[%dma_start3A] : memref<1456xf32, #tpu.memory_space<vmem>> -> memref<1440xf32, #tpu.memory_space<vmem>>
    %dma_start3A_4 = tpu.memref_slice %arg2[%mul3A_2] : memref<46080xf32, #tpu.memory_space<hbm>> -> memref<1440xf32, #tpu.memory_space<hbm>>
    %dma_start3A_5 = arith.constant 0 : i32
    %dma_start3A_6 = tpu.memref_slice %arg4[%dma_start3A_5] : memref<1456xf32, #tpu.memory_space<vmem>> -> memref<1440xf32, #tpu.memory_space<vmem>>
    %dma_start3A_7 = tpu.memref_slice %arg2[%mul3A_2] : memref<46080xf32, #tpu.memory_space<hbm>> -> memref<1440xf32, #tpu.memory_space<hbm>>
    tpu.enqueue_dma source(%dma_start3A_7 : memref<1440xf32, #tpu.memory_space<hbm>>) target(%dma_start3A_6 : memref<1440xf32, #tpu.memory_space<vmem>>) target_semaphore(%arg6 : memref<!tpu.dma_semaphore, #tpu.memory_space<semaphore_mem>>)
    %dma_wait3A = arith.constant 0 : i32
    %dma_wait3A_8 = tpu.memref_slice %arg4[%dma_wait3A] : memref<1456xf32, #tpu.memory_space<vmem>> -> memref<1440xf32, #tpu.memory_space<vmem>>
    %dma_wait3A_9 = tpu.memref_slice %arg2[%mul3A_2] : memref<46080xf32, #tpu.memory_space<hbm>> -> memref<1440xf32, #tpu.memory_space<hbm>>
    %dma_wait3A_10 = arith.constant 0 : i32
    %dma_wait3A_11 = tpu.memref_slice %arg4[%dma_wait3A_10] : memref<1456xf32, #tpu.memory_space<vmem>> -> memref<1440xf32, #tpu.memory_space<vmem>>
    %dma_wait3A_12 = tpu.memref_slice %arg2[%mul3A_2] : memref<46080xf32, #tpu.memory_space<hbm>> -> memref<1440xf32, #tpu.memory_space<hbm>>
    tpu.wait_dma2 semaphore(%arg6 : memref<!tpu.dma_semaphore, #tpu.memory_space<semaphore_mem>>) src(%dma_wait3A_12 : memref<1440xf32, #tpu.memory_space<hbm>>) dst(%dma_wait3A_11 : memref<1440xf32, #tpu.memory_space<vmem>>)
    %iota3A = tpu.iota {dimensions = array<i32: 0>} : vector<16xi32>
    %scan3A = arith.constant 0 : i32
    %scan3A_13 = arith.constant 0 : i32
    %scan3A_14 = arith.constant 2 : i32
    %scan3A_15 = arith.addi %scan3A_13, %scan3A_14 : i32
    %scan3A_16 = arith.constant 1 : i32
    %scan3A_17 = scf.for %scan3A_19 = %scan3A_13 to %scan3A_15 step %scan3A_16 iter_args(%scan3A_20 = %scan3A) -> (i32)  : i32 {
      %mul3A_21 = arith.constant 96 : i32
      %mul3A_22 = arith.muli %scan3A_19, %mul3A_21 : i32
      %broadcast_in_dim3A = arith.constant 0.000000e+00 : f32
      %broadcast_in_dim3A_23 = vector.broadcast %broadcast_in_dim3A : f32 to vector<16xf32>
      %scan3A_24 = arith.constant 0 : i32
      %scan3A_25 = arith.constant 6 : i32
      %scan3A_26 = arith.addi %scan3A_24, %scan3A_25 : i32
      %scan3A_27 = arith.constant 1 : i32
      %scan3A_28 = scf.for %scan3A_36 = %scan3A_24 to %scan3A_26 step %scan3A_27 iter_args(%scan3A_37 = %broadcast_in_dim3A_23) -> (vector<16xf32>)  : i32 {
        %mul3A_38 = arith.constant 16 : i32
        %mul3A_39 = arith.muli %scan3A_36, %mul3A_38 : i32
        %add3A_40 = arith.addi %mul3A_22, %mul3A_39 : i32
        %get3A = arith.index_cast %add3A_40 : i32 to index
        %get3A_41 = tpu.vector_load %arg4[%get3A] {strides = array<i32>} : memref<1456xf32, #tpu.memory_space<vmem>>, vector<16xf32>,
        %get3A_42 = vector.shape_cast %get3A_41 : vector<16xf32> to vector<16xf32>
        %add3A_43 = arith.constant 192 : i32
        %add3A_44 = arith.addi %add3A_43, %mul3A_22 : i32
        %add3A_45 = arith.addi %add3A_44, %mul3A_39 : i32
        %get3A_46 = arith.index_cast %add3A_45 : i32 to index
        %get3A_47 = tpu.vector_load %arg4[%get3A_46] {strides = array<i32>} : memref<1456xf32, #tpu.memory_space<vmem>>, vector<16xf32>,
        %get3A_48 = vector.shape_cast %get3A_47 : vector<16xf32> to vector<16xf32>
        %add3A_49 = arith.constant 384 : i32
        %add3A_50 = arith.addi %add3A_49, %mul3A_22 : i32
        %add3A_51 = arith.addi %add3A_50, %mul3A_39 : i32
        %get3A_52 = arith.index_cast %add3A_51 : i32 to index
        %get3A_53 = tpu.vector_load %arg4[%get3A_52] {strides = array<i32>} : memref<1456xf32, #tpu.memory_space<vmem>>, vector<16xf32>,
        %get3A_54 = vector.shape_cast %get3A_53 : vector<16xf32> to vector<16xf32>
        %add3A_55 = vector.broadcast %mul3A_39 : i32 to vector<16xi32>
        %add3A_56 = arith.addi %iota3A, %add3A_55 : vector<16xi32>
        %mul3A_57 = arith.constant 5 : i32
        %mul3A_58 = arith.muli %mul3A_57, %scan3A_36 : i32
        %ge3A = arith.constant 3 : i32
        %ge3A_59 = arith.cmpi sge, %scan3A_36, %ge3A : i32
        %jit3A = arith.constant 1 : i32
        %jit3A_60 = arith.constant 0 : i32
        %select_n3A = arith.select %ge3A_59, %jit3A, %jit3A_60 : i32
        %add3A_61 = arith.addi %mul3A_58, %select_n3A : i32
        %add3A_62 = arith.constant 5 : i32
        %add3A_63 = arith.addi %add3A_61, %add3A_62 : i32
        %while3A = arith.constant 0 : i32
        %while3A_64 = arith.subi %add3A_63, %while3A : i32
        %while3A_65 = arith.addi %while3A, %while3A_64 : i32
        %while3A_66 = arith.constant 1 : i32
        %while3A_67 = arith.divsi %while3A_64, %while3A_66 : i32
        %while3A_68 = arith.muli %while3A_67, %while3A_66 : i32
        %while3A_69 = arith.addi %while3A, %while3A_68 : i32
        %while3A_70 = arith.constant 1 : i32
        %while3A_71 = scf.for %while3A_74 = %while3A to %while3A_69 step %while3A_70 iter_args(%while3A_75 = %scan3A_37) -> (vector<16xf32>)  : i32 {
          %mul3A_76 = arith.constant 3 : i32
          %mul3A_77 = arith.muli %mul3A_76, %while3A_74 : i32
          %add3A_78 = arith.addi %mul3A_22, %mul3A_77 : i32
          %get3A_79 = arith.index_cast %add3A_78 : i32 to index
          %get3A_80 = tpu.vector_load %arg4[%get3A_79] {strides = array<i32>} : memref<1456xf32, #tpu.memory_space<vmem>>, vector<16xf32>,
          %get3A_81 = vector.shape_cast %get3A_80 : vector<16xf32> to vector<16xf32>
          %add3A_82 = arith.constant 192 : i32
          %add3A_83 = arith.addi %add3A_82, %mul3A_22 : i32
          %mul3A_84 = arith.constant 3 : i32
          %mul3A_85 = arith.muli %mul3A_84, %while3A_74 : i32
          %add3A_86 = arith.addi %add3A_83, %mul3A_85 : i32
          %get3A_87 = arith.index_cast %add3A_86 : i32 to index
          %get3A_88 = tpu.vector_load %arg4[%get3A_87] {strides = array<i32>} : memref<1456xf32, #tpu.memory_space<vmem>>, vector<16xf32>,
          %get3A_89 = vector.shape_cast %get3A_88 : vector<16xf32> to vector<16xf32>
          %add3A_90 = arith.constant 384 : i32
          %add3A_91 = arith.addi %add3A_90, %mul3A_22 : i32
          %mul3A_92 = arith.constant 3 : i32
          %mul3A_93 = arith.muli %mul3A_92, %while3A_74 : i32
          %add3A_94 = arith.addi %add3A_91, %mul3A_93 : i32
          %get3A_95 = arith.index_cast %add3A_94 : i32 to index
          %get3A_96 = tpu.vector_load %arg4[%get3A_95] {strides = array<i32>} : memref<1456xf32, #tpu.memory_space<vmem>>, vector<16xf32>,
          %get3A_97 = vector.shape_cast %get3A_96 : vector<16xf32> to vector<16xf32>
          %mul3A_98 = arith.constant 3 : i32
          %mul3A_99 = arith.muli %mul3A_98, %while3A_74 : i32
          %add3A_100 = arith.constant 3 : i32
          %add3A_101 = arith.addi %mul3A_99, %add3A_100 : i32
          %ge3A_102 = vector.broadcast %add3A_101 : i32 to vector<16xi32>
          %ge3A_103 = arith.cmpi sge, %add3A_56, %ge3A_102 : vector<16xi32>
          %slice3A = vector.extract_strided_slice %get3A_81 {offsets = [0], sizes = [1], strides = [1]} : vector<16xf32> to vector<1xf32>
          %squeeze3A = vector.extract %slice3A[0] : f32 from vector<1xf32>
          %sub3A = vector.broadcast %squeeze3A : f32 to vector<16xf32>
          %sub3A_104 = arith.subf %get3A_42, %sub3A : vector<16xf32>
          %slice3A_105 = vector.extract_strided_slice %get3A_89 {offsets = [0], sizes = [1], strides = [1]} : vector<16xf32> to vector<1xf32>
          %squeeze3A_106 = vector.extract %slice3A_105[0] : f32 from vector<1xf32>
          %sub3A_107 = vector.broadcast %squeeze3A_106 : f32 to vector<16xf32>
          %sub3A_108 = arith.subf %get3A_48, %sub3A_107 : vector<16xf32>
          %slice3A_109 = vector.extract_strided_slice %get3A_97 {offsets = [0], sizes = [1], strides = [1]} : vector<16xf32> to vector<1xf32>
          %squeeze3A_110 = vector.extract %slice3A_109[0] : f32 from vector<1xf32>
          %sub3A_111 = vector.broadcast %squeeze3A_110 : f32 to vector<16xf32>
          %sub3A_112 = arith.subf %get3A_54, %sub3A_111 : vector<16xf32>
          %mul3A_113 = arith.mulf %sub3A_104, %sub3A_104 : vector<16xf32>
          %mul3A_114 = arith.mulf %sub3A_108, %sub3A_108 : vector<16xf32>
          %add3A_115 = arith.addf %mul3A_113, %mul3A_114 : vector<16xf32>
          %mul3A_116 = arith.mulf %sub3A_112, %sub3A_112 : vector<16xf32>
          %add3A_117 = arith.addf %add3A_115, %mul3A_116 : vector<16xf32>
          %bitcast_convert_type3A = tpu.bitcast %add3A_117 : vector<16xf32> -> vector<16xi32>
          %shift_right_arithmetic3A = arith.constant 1 : i32
          %shift_right_arithmetic3A_118 = vector.broadcast %shift_right_arithmetic3A : i32 to vector<16xi32>
          %shift_right_arithmetic3A_119 = arith.shrsi %bitcast_convert_type3A, %shift_right_arithmetic3A_118 : vector<16xi32>
          %sub3A_120 = arith.constant 1597463007 : i32
          %sub3A_121 = vector.broadcast %sub3A_120 : i32 to vector<16xi32>
          %sub3A_122 = arith.subi %sub3A_121, %shift_right_arithmetic3A_119 : vector<16xi32>
          %bitcast_convert_type3A_123 = tpu.bitcast %sub3A_122 : vector<16xi32> -> vector<16xf32>
          %mul3A_124 = arith.constant 5.000000e-01 : f32
          %mul3A_125 = vector.broadcast %mul3A_124 : f32 to vector<16xf32>
          %mul3A_126 = arith.mulf %mul3A_125, %add3A_117 : vector<16xf32>
          %mul3A_127 = arith.mulf %mul3A_126, %bitcast_convert_type3A_123 : vector<16xf32>
          %mul3A_128 = arith.mulf %mul3A_127, %bitcast_convert_type3A_123 : vector<16xf32>
          %sub3A_129 = arith.constant 1.500000e+00 : f32
          %sub3A_130 = vector.broadcast %sub3A_129 : f32 to vector<16xf32>
          %sub3A_131 = arith.subf %sub3A_130, %mul3A_128 : vector<16xf32>
          %mul3A_132 = arith.mulf %bitcast_convert_type3A_123, %sub3A_131 : vector<16xf32>
          %mul3A_133 = arith.mulf %mul3A_126, %mul3A_132 : vector<16xf32>
          %mul3A_134 = arith.mulf %mul3A_133, %mul3A_132 : vector<16xf32>
          %sub3A_135 = arith.constant 1.500000e+00 : f32
          %sub3A_136 = vector.broadcast %sub3A_135 : f32 to vector<16xf32>
          %sub3A_137 = arith.subf %sub3A_136, %mul3A_134 : vector<16xf32>
          %mul3A_138 = arith.mulf %mul3A_132, %sub3A_137 : vector<16xf32>
          %mul3A_139 = arith.mulf %mul3A_138, %mul3A_138 : vector<16xf32>
          %mul3A_140 = arith.mulf %mul3A_139, %mul3A_139 : vector<16xf32>
          %mul3A_141 = arith.mulf %mul3A_140, %mul3A_139 : vector<16xf32>
          %add3A_142 = arith.constant 864 : i32
          %add3A_143 = arith.addi %add3A_142, %mul3A_39 : i32
          %get3A_144 = arith.index_cast %add3A_143 : i32 to index
          %get3A_145 = tpu.vector_load %arg4[%get3A_144] {strides = array<i32>} : memref<1456xf32, #tpu.memory_space<vmem>>, vector<16xf32>,
          %get3A_146 = vector.shape_cast %get3A_145 : vector<16xf32> to vector<16xf32>
          %mul3A_147 = arith.mulf %get3A_146, %mul3A_141 : vector<16xf32>
          %add3A_148 = arith.constant 1152 : i32
          %add3A_149 = arith.addi %add3A_148, %mul3A_39 : i32
          %get3A_150 = arith.index_cast %add3A_149 : i32 to index
          %get3A_151 = tpu.vector_load %arg4[%get3A_150] {strides = array<i32>} : memref<1456xf32, #tpu.memory_space<vmem>>, vector<16xf32>,
          %get3A_152 = vector.shape_cast %get3A_151 : vector<16xf32> to vector<16xf32>
          %mul3A_153 = arith.mulf %mul3A_147, %mul3A_147 : vector<16xf32>
          %sub3A_154 = arith.subf %mul3A_153, %mul3A_147 : vector<16xf32>
          %mul3A_155 = arith.mulf %get3A_152, %sub3A_154 : vector<16xf32>
          %add3A_156 = arith.constant 576 : i32
          %add3A_157 = arith.addi %add3A_156, %mul3A_39 : i32
          %get3A_158 = arith.index_cast %add3A_157 : i32 to index
          %get3A_159 = tpu.vector_load %arg4[%get3A_158] {strides = array<i32>} : memref<1456xf32, #tpu.memory_space<vmem>>, vector<16xf32>,
          %get3A_160 = vector.shape_cast %get3A_159 : vector<16xf32> to vector<16xf32>
          %mul3A_161 = arith.mulf %get3A_160, %mul3A_138 : vector<16xf32>
          %add3A_162 = arith.addf %mul3A_155, %mul3A_161 : vector<16xf32>
          %jit3A_163 = arith.constant 0.000000e+00 : f32
          %broadcast_in_dim3A_164 = vector.broadcast %jit3A_163 : f32 to vector<16xf32>
          %select_n3A_165 = arith.select %ge3A_103, %add3A_162, %broadcast_in_dim3A_164 : vector<16xi1>, vector<16xf32>
          %add3A_166 = arith.addf %while3A_75, %select_n3A_165 : vector<16xf32>
          %slice3A_167 = vector.extract_strided_slice %get3A_81 {offsets = [1], sizes = [1], strides = [1]} : vector<16xf32> to vector<1xf32>
          %squeeze3A_168 = vector.extract %slice3A_167[0] : f32 from vector<1xf32>
          %sub3A_169 = vector.broadcast %squeeze3A_168 : f32 to vector<16xf32>
          %sub3A_170 = arith.subf %get3A_42, %sub3A_169 : vector<16xf32>
          %slice3A_171 = vector.extract_strided_slice %get3A_89 {offsets = [1], sizes = [1], strides = [1]} : vector<16xf32> to vector<1xf32>
          %squeeze3A_172 = vector.extract %slice3A_171[0] : f32 from vector<1xf32>
          %sub3A_173 = vector.broadcast %squeeze3A_172 : f32 to vector<16xf32>
          %sub3A_174 = arith.subf %get3A_48, %sub3A_173 : vector<16xf32>
          %slice3A_175 = vector.extract_strided_slice %get3A_97 {offsets = [1], sizes = [1], strides = [1]} : vector<16xf32> to vector<1xf32>
          %squeeze3A_176 = vector.extract %slice3A_175[0] : f32 from vector<1xf32>
          %sub3A_177 = vector.broadcast %squeeze3A_176 : f32 to vector<16xf32>
          %sub3A_178 = arith.subf %get3A_54, %sub3A_177 : vector<16xf32>
          %mul3A_179 = arith.mulf %sub3A_170, %sub3A_170 : vector<16xf32>
          %mul3A_180 = arith.mulf %sub3A_174, %sub3A_174 : vector<16xf32>
          %add3A_181 = arith.addf %mul3A_179, %mul3A_180 : vector<16xf32>
          %mul3A_182 = arith.mulf %sub3A_178, %sub3A_178 : vector<16xf32>
          %add3A_183 = arith.addf %add3A_181, %mul3A_182 : vector<16xf32>
          %bitcast_convert_type3A_184 = tpu.bitcast %add3A_183 : vector<16xf32> -> vector<16xi32>
          %shift_right_arithmetic3A_185 = arith.constant 1 : i32
          %shift_right_arithmetic3A_186 = vector.broadcast %shift_right_arithmetic3A_185 : i32 to vector<16xi32>
          %shift_right_arithmetic3A_187 = arith.shrsi %bitcast_convert_type3A_184, %shift_right_arithmetic3A_186 : vector<16xi32>
          %sub3A_188 = arith.constant 1597463007 : i32
          %sub3A_189 = vector.broadcast %sub3A_188 : i32 to vector<16xi32>
          %sub3A_190 = arith.subi %sub3A_189, %shift_right_arithmetic3A_187 : vector<16xi32>
          %bitcast_convert_type3A_191 = tpu.bitcast %sub3A_190 : vector<16xi32> -> vector<16xf32>
          %mul3A_192 = arith.constant 5.000000e-01 : f32
          %mul3A_193 = vector.broadcast %mul3A_192 : f32 to vector<16xf32>
          %mul3A_194 = arith.mulf %mul3A_193, %add3A_183 : vector<16xf32>
          %mul3A_195 = arith.mulf %mul3A_194, %bitcast_convert_type3A_191 : vector<16xf32>
          %mul3A_196 = arith.mulf %mul3A_195, %bitcast_convert_type3A_191 : vector<16xf32>
          %sub3A_197 = arith.constant 1.500000e+00 : f32
          %sub3A_198 = vector.broadcast %sub3A_197 : f32 to vector<16xf32>
          %sub3A_199 = arith.subf %sub3A_198, %mul3A_196 : vector<16xf32>
          %mul3A_200 = arith.mulf %bitcast_convert_type3A_191, %sub3A_199 : vector<16xf32>
          %mul3A_201 = arith.mulf %mul3A_194, %mul3A_200 : vector<16xf32>
          %mul3A_202 = arith.mulf %mul3A_201, %mul3A_200 : vector<16xf32>
          %sub3A_203 = arith.constant 1.500000e+00 : f32
          %sub3A_204 = vector.broadcast %sub3A_203 : f32 to vector<16xf32>
          %sub3A_205 = arith.subf %sub3A_204, %mul3A_202 : vector<16xf32>
          %mul3A_206 = arith.mulf %mul3A_200, %sub3A_205 : vector<16xf32>
          %mul3A_207 = arith.mulf %mul3A_206, %mul3A_206 : vector<16xf32>
          %mul3A_208 = arith.mulf %mul3A_207, %mul3A_207 : vector<16xf32>
          %mul3A_209 = arith.mulf %mul3A_208, %mul3A_207 : vector<16xf32>
          %add3A_210 = arith.constant 960 : i32
          %add3A_211 = arith.addi %add3A_210, %mul3A_39 : i32
          %get3A_212 = arith.index_cast %add3A_211 : i32 to index
          %get3A_213 = tpu.vector_load %arg4[%get3A_212] {strides = array<i32>} : memref<1456xf32, #tpu.memory_space<vmem>>, vector<16xf32>,
          %get3A_214 = vector.shape_cast %get3A_213 : vector<16xf32> to vector<16xf32>
          %mul3A_215 = arith.mulf %get3A_214, %mul3A_209 : vector<16xf32>
          %add3A_216 = arith.constant 1248 : i32
          %add3A_217 = arith.addi %add3A_216, %mul3A_39 : i32
          %get3A_218 = arith.index_cast %add3A_217 : i32 to index
          %get3A_219 = tpu.vector_load %arg4[%get3A_218] {strides = array<i32>} : memref<1456xf32, #tpu.memory_space<vmem>>, vector<16xf32>,
          %get3A_220 = vector.shape_cast %get3A_219 : vector<16xf32> to vector<16xf32>
          %mul3A_221 = arith.mulf %mul3A_215, %mul3A_215 : vector<16xf32>
          %sub3A_222 = arith.subf %mul3A_221, %mul3A_215 : vector<16xf32>
          %mul3A_223 = arith.mulf %get3A_220, %sub3A_222 : vector<16xf32>
          %add3A_224 = arith.constant 672 : i32
          %add3A_225 = arith.addi %add3A_224, %mul3A_39 : i32
          %get3A_226 = arith.index_cast %add3A_225 : i32 to index
          %get3A_227 = tpu.vector_load %arg4[%get3A_226] {strides = array<i32>} : memref<1456xf32, #tpu.memory_space<vmem>>, vector<16xf32>,
          %get3A_228 = vector.shape_cast %get3A_227 : vector<16xf32> to vector<16xf32>
          %mul3A_229 = arith.mulf %get3A_228, %mul3A_206 : vector<16xf32>
          %add3A_230 = arith.addf %mul3A_223, %mul3A_229 : vector<16xf32>
          %jit3A_231 = arith.constant 0.000000e+00 : f32
          %broadcast_in_dim3A_232 = vector.broadcast %jit3A_231 : f32 to vector<16xf32>
          %select_n3A_233 = arith.select %ge3A_103, %add3A_230, %broadcast_in_dim3A_232 : vector<16xi1>, vector<16xf32>
          %add3A_234 = arith.addf %add3A_166, %select_n3A_233 : vector<16xf32>
          %slice3A_235 = vector.extract_strided_slice %get3A_81 {offsets = [2], sizes = [1], strides = [1]} : vector<16xf32> to vector<1xf32>
          %squeeze3A_236 = vector.extract %slice3A_235[0] : f32 from vector<1xf32>
          %sub3A_237 = vector.broadcast %squeeze3A_236 : f32 to vector<16xf32>
          %sub3A_238 = arith.subf %get3A_42, %sub3A_237 : vector<16xf32>
          %slice3A_239 = vector.extract_strided_slice %get3A_89 {offsets = [2], sizes = [1], strides = [1]} : vector<16xf32> to vector<1xf32>
          %squeeze3A_240 = vector.extract %slice3A_239[0] : f32 from vector<1xf32>
          %sub3A_241 = vector.broadcast %squeeze3A_240 : f32 to vector<16xf32>
          %sub3A_242 = arith.subf %get3A_48, %sub3A_241 : vector<16xf32>
          %slice3A_243 = vector.extract_strided_slice %get3A_97 {offsets = [2], sizes = [1], strides = [1]} : vector<16xf32> to vector<1xf32>
          %squeeze3A_244 = vector.extract %slice3A_243[0] : f32 from vector<1xf32>
          %sub3A_245 = vector.broadcast %squeeze3A_244 : f32 to vector<16xf32>
          %sub3A_246 = arith.subf %get3A_54, %sub3A_245 : vector<16xf32>
          %mul3A_247 = arith.mulf %sub3A_238, %sub3A_238 : vector<16xf32>
          %mul3A_248 = arith.mulf %sub3A_242, %sub3A_242 : vector<16xf32>
          %add3A_249 = arith.addf %mul3A_247, %mul3A_248 : vector<16xf32>
          %mul3A_250 = arith.mulf %sub3A_246, %sub3A_246 : vector<16xf32>
          %add3A_251 = arith.addf %add3A_249, %mul3A_250 : vector<16xf32>
          %bitcast_convert_type3A_252 = tpu.bitcast %add3A_251 : vector<16xf32> -> vector<16xi32>
          %shift_right_arithmetic3A_253 = arith.constant 1 : i32
          %shift_right_arithmetic3A_254 = vector.broadcast %shift_right_arithmetic3A_253 : i32 to vector<16xi32>
          %shift_right_arithmetic3A_255 = arith.shrsi %bitcast_convert_type3A_252, %shift_right_arithmetic3A_254 : vector<16xi32>
          %sub3A_256 = arith.constant 1597463007 : i32
          %sub3A_257 = vector.broadcast %sub3A_256 : i32 to vector<16xi32>
          %sub3A_258 = arith.subi %sub3A_257, %shift_right_arithmetic3A_255 : vector<16xi32>
          %bitcast_convert_type3A_259 = tpu.bitcast %sub3A_258 : vector<16xi32> -> vector<16xf32>
          %mul3A_260 = arith.constant 5.000000e-01 : f32
          %mul3A_261 = vector.broadcast %mul3A_260 : f32 to vector<16xf32>
          %mul3A_262 = arith.mulf %mul3A_261, %add3A_251 : vector<16xf32>
          %mul3A_263 = arith.mulf %mul3A_262, %bitcast_convert_type3A_259 : vector<16xf32>
          %mul3A_264 = arith.mulf %mul3A_263, %bitcast_convert_type3A_259 : vector<16xf32>
          %sub3A_265 = arith.constant 1.500000e+00 : f32
          %sub3A_266 = vector.broadcast %sub3A_265 : f32 to vector<16xf32>
          %sub3A_267 = arith.subf %sub3A_266, %mul3A_264 : vector<16xf32>
          %mul3A_268 = arith.mulf %bitcast_convert_type3A_259, %sub3A_267 : vector<16xf32>
          %mul3A_269 = arith.mulf %mul3A_262, %mul3A_268 : vector<16xf32>
          %mul3A_270 = arith.mulf %mul3A_269, %mul3A_268 : vector<16xf32>
          %sub3A_271 = arith.constant 1.500000e+00 : f32
          %sub3A_272 = vector.broadcast %sub3A_271 : f32 to vector<16xf32>
          %sub3A_273 = arith.subf %sub3A_272, %mul3A_270 : vector<16xf32>
          %mul3A_274 = arith.mulf %mul3A_268, %sub3A_273 : vector<16xf32>
          %mul3A_275 = arith.mulf %mul3A_274, %mul3A_274 : vector<16xf32>
          %mul3A_276 = arith.mulf %mul3A_275, %mul3A_275 : vector<16xf32>
          %mul3A_277 = arith.mulf %mul3A_276, %mul3A_275 : vector<16xf32>
          %add3A_278 = arith.constant 1056 : i32
          %add3A_279 = arith.addi %add3A_278, %mul3A_39 : i32
          %get3A_280 = arith.index_cast %add3A_279 : i32 to index
          %get3A_281 = tpu.vector_load %arg4[%get3A_280] {strides = array<i32>} : memref<1456xf32, #tpu.memory_space<vmem>>, vector<16xf32>,
          %get3A_282 = vector.shape_cast %get3A_281 : vector<16xf32> to vector<16xf32>
          %mul3A_283 = arith.mulf %get3A_282, %mul3A_277 : vector<16xf32>
          %add3A_284 = arith.constant 1344 : i32
          %add3A_285 = arith.addi %add3A_284, %mul3A_39 : i32
          %get3A_286 = arith.index_cast %add3A_285 : i32 to index
          %get3A_287 = tpu.vector_load %arg4[%get3A_286] {strides = array<i32>} : memref<1456xf32, #tpu.memory_space<vmem>>, vector<16xf32>,
          %get3A_288 = vector.shape_cast %get3A_287 : vector<16xf32> to vector<16xf32>
          %mul3A_289 = arith.mulf %mul3A_283, %mul3A_283 : vector<16xf32>
          %sub3A_290 = arith.subf %mul3A_289, %mul3A_283 : vector<16xf32>
          %mul3A_291 = arith.mulf %get3A_288, %sub3A_290 : vector<16xf32>
          %add3A_292 = arith.constant 768 : i32
          %add3A_293 = arith.addi %add3A_292, %mul3A_39 : i32
          %get3A_294 = arith.index_cast %add3A_293 : i32 to index
          %get3A_295 = tpu.vector_load %arg4[%get3A_294] {strides = array<i32>} : memref<1456xf32, #tpu.memory_space<vmem>>, vector<16xf32>,
          %get3A_296 = vector.shape_cast %get3A_295 : vector<16xf32> to vector<16xf32>
          %mul3A_297 = arith.mulf %get3A_296, %mul3A_274 : vector<16xf32>
          %add3A_298 = arith.addf %mul3A_291, %mul3A_297 : vector<16xf32>
          %jit3A_299 = arith.constant 0.000000e+00 : f32
          %broadcast_in_dim3A_300 = vector.broadcast %jit3A_299 : f32 to vector<16xf32>
          %select_n3A_301 = arith.select %ge3A_103, %add3A_298, %broadcast_in_dim3A_300 : vector<16xi1>, vector<16xf32>
          %add3A_302 = arith.addf %add3A_234, %select_n3A_301 : vector<16xf32>
          scf.yield %add3A_302 : vector<16xf32>
        }
        %while3A_72 = arith.constant 1 : i32
        %while3A_73 = scf.for %while3A_74 = %while3A_69 to %while3A_65 step %while3A_72 iter_args(%while3A_75 = %while3A_71) -> (vector<16xf32>)  : i32 {
          %mul3A_76 = arith.constant 3 : i32
          %mul3A_77 = arith.muli %mul3A_76, %while3A_74 : i32
          %add3A_78 = arith.addi %mul3A_22, %mul3A_77 : i32
          %get3A_79 = arith.index_cast %add3A_78 : i32 to index
          %get3A_80 = tpu.vector_load %arg4[%get3A_79] {strides = array<i32>} : memref<1456xf32, #tpu.memory_space<vmem>>, vector<16xf32>,
          %get3A_81 = vector.shape_cast %get3A_80 : vector<16xf32> to vector<16xf32>
          %add3A_82 = arith.constant 192 : i32
          %add3A_83 = arith.addi %add3A_82, %mul3A_22 : i32
          %mul3A_84 = arith.constant 3 : i32
          %mul3A_85 = arith.muli %mul3A_84, %while3A_74 : i32
          %add3A_86 = arith.addi %add3A_83, %mul3A_85 : i32
          %get3A_87 = arith.index_cast %add3A_86 : i32 to index
          %get3A_88 = tpu.vector_load %arg4[%get3A_87] {strides = array<i32>} : memref<1456xf32, #tpu.memory_space<vmem>>, vector<16xf32>,
          %get3A_89 = vector.shape_cast %get3A_88 : vector<16xf32> to vector<16xf32>
          %add3A_90 = arith.constant 384 : i32
          %add3A_91 = arith.addi %add3A_90, %mul3A_22 : i32
          %mul3A_92 = arith.constant 3 : i32
          %mul3A_93 = arith.muli %mul3A_92, %while3A_74 : i32
          %add3A_94 = arith.addi %add3A_91, %mul3A_93 : i32
          %get3A_95 = arith.index_cast %add3A_94 : i32 to index
          %get3A_96 = tpu.vector_load %arg4[%get3A_95] {strides = array<i32>} : memref<1456xf32, #tpu.memory_space<vmem>>, vector<16xf32>,
          %get3A_97 = vector.shape_cast %get3A_96 : vector<16xf32> to vector<16xf32>
          %mul3A_98 = arith.constant 3 : i32
          %mul3A_99 = arith.muli %mul3A_98, %while3A_74 : i32
          %add3A_100 = arith.constant 3 : i32
          %add3A_101 = arith.addi %mul3A_99, %add3A_100 : i32
          %ge3A_102 = vector.broadcast %add3A_101 : i32 to vector<16xi32>
          %ge3A_103 = arith.cmpi sge, %add3A_56, %ge3A_102 : vector<16xi32>
          %slice3A = vector.extract_strided_slice %get3A_81 {offsets = [0], sizes = [1], strides = [1]} : vector<16xf32> to vector<1xf32>
          %squeeze3A = vector.extract %slice3A[0] : f32 from vector<1xf32>
          %sub3A = vector.broadcast %squeeze3A : f32 to vector<16xf32>
          %sub3A_104 = arith.subf %get3A_42, %sub3A : vector<16xf32>
          %slice3A_105 = vector.extract_strided_slice %get3A_89 {offsets = [0], sizes = [1], strides = [1]} : vector<16xf32> to vector<1xf32>
          %squeeze3A_106 = vector.extract %slice3A_105[0] : f32 from vector<1xf32>
          %sub3A_107 = vector.broadcast %squeeze3A_106 : f32 to vector<16xf32>
          %sub3A_108 = arith.subf %get3A_48, %sub3A_107 : vector<16xf32>
          %slice3A_109 = vector.extract_strided_slice %get3A_97 {offsets = [0], sizes = [1], strides = [1]} : vector<16xf32> to vector<1xf32>
          %squeeze3A_110 = vector.extract %slice3A_109[0] : f32 from vector<1xf32>
          %sub3A_111 = vector.broadcast %squeeze3A_110 : f32 to vector<16xf32>
          %sub3A_112 = arith.subf %get3A_54, %sub3A_111 : vector<16xf32>
          %mul3A_113 = arith.mulf %sub3A_104, %sub3A_104 : vector<16xf32>
          %mul3A_114 = arith.mulf %sub3A_108, %sub3A_108 : vector<16xf32>
          %add3A_115 = arith.addf %mul3A_113, %mul3A_114 : vector<16xf32>
          %mul3A_116 = arith.mulf %sub3A_112, %sub3A_112 : vector<16xf32>
          %add3A_117 = arith.addf %add3A_115, %mul3A_116 : vector<16xf32>
          %bitcast_convert_type3A = tpu.bitcast %add3A_117 : vector<16xf32> -> vector<16xi32>
          %shift_right_arithmetic3A = arith.constant 1 : i32
          %shift_right_arithmetic3A_118 = vector.broadcast %shift_right_arithmetic3A : i32 to vector<16xi32>
          %shift_right_arithmetic3A_119 = arith.shrsi %bitcast_convert_type3A, %shift_right_arithmetic3A_118 : vector<16xi32>
          %sub3A_120 = arith.constant 1597463007 : i32
          %sub3A_121 = vector.broadcast %sub3A_120 : i32 to vector<16xi32>
          %sub3A_122 = arith.subi %sub3A_121, %shift_right_arithmetic3A_119 : vector<16xi32>
          %bitcast_convert_type3A_123 = tpu.bitcast %sub3A_122 : vector<16xi32> -> vector<16xf32>
          %mul3A_124 = arith.constant 5.000000e-01 : f32
          %mul3A_125 = vector.broadcast %mul3A_124 : f32 to vector<16xf32>
          %mul3A_126 = arith.mulf %mul3A_125, %add3A_117 : vector<16xf32>
          %mul3A_127 = arith.mulf %mul3A_126, %bitcast_convert_type3A_123 : vector<16xf32>
          %mul3A_128 = arith.mulf %mul3A_127, %bitcast_convert_type3A_123 : vector<16xf32>
          %sub3A_129 = arith.constant 1.500000e+00 : f32
          %sub3A_130 = vector.broadcast %sub3A_129 : f32 to vector<16xf32>
          %sub3A_131 = arith.subf %sub3A_130, %mul3A_128 : vector<16xf32>
          %mul3A_132 = arith.mulf %bitcast_convert_type3A_123, %sub3A_131 : vector<16xf32>
          %mul3A_133 = arith.mulf %mul3A_126, %mul3A_132 : vector<16xf32>
          %mul3A_134 = arith.mulf %mul3A_133, %mul3A_132 : vector<16xf32>
          %sub3A_135 = arith.constant 1.500000e+00 : f32
          %sub3A_136 = vector.broadcast %sub3A_135 : f32 to vector<16xf32>
          %sub3A_137 = arith.subf %sub3A_136, %mul3A_134 : vector<16xf32>
          %mul3A_138 = arith.mulf %mul3A_132, %sub3A_137 : vector<16xf32>
          %mul3A_139 = arith.mulf %mul3A_138, %mul3A_138 : vector<16xf32>
          %mul3A_140 = arith.mulf %mul3A_139, %mul3A_139 : vector<16xf32>
          %mul3A_141 = arith.mulf %mul3A_140, %mul3A_139 : vector<16xf32>
          %add3A_142 = arith.constant 864 : i32
          %add3A_143 = arith.addi %add3A_142, %mul3A_39 : i32
          %get3A_144 = arith.index_cast %add3A_143 : i32 to index
          %get3A_145 = tpu.vector_load %arg4[%get3A_144] {strides = array<i32>} : memref<1456xf32, #tpu.memory_space<vmem>>, vector<16xf32>,
          %get3A_146 = vector.shape_cast %get3A_145 : vector<16xf32> to vector<16xf32>
          %mul3A_147 = arith.mulf %get3A_146, %mul3A_141 : vector<16xf32>
          %add3A_148 = arith.constant 1152 : i32
          %add3A_149 = arith.addi %add3A_148, %mul3A_39 : i32
          %get3A_150 = arith.index_cast %add3A_149 : i32 to index
          %get3A_151 = tpu.vector_load %arg4[%get3A_150] {strides = array<i32>} : memref<1456xf32, #tpu.memory_space<vmem>>, vector<16xf32>,
          %get3A_152 = vector.shape_cast %get3A_151 : vector<16xf32> to vector<16xf32>
          %mul3A_153 = arith.mulf %mul3A_147, %mul3A_147 : vector<16xf32>
          %sub3A_154 = arith.subf %mul3A_153, %mul3A_147 : vector<16xf32>
          %mul3A_155 = arith.mulf %get3A_152, %sub3A_154 : vector<16xf32>
          %add3A_156 = arith.constant 576 : i32
          %add3A_157 = arith.addi %add3A_156, %mul3A_39 : i32
          %get3A_158 = arith.index_cast %add3A_157 : i32 to index
          %get3A_159 = tpu.vector_load %arg4[%get3A_158] {strides = array<i32>} : memref<1456xf32, #tpu.memory_space<vmem>>, vector<16xf32>,
          %get3A_160 = vector.shape_cast %get3A_159 : vector<16xf32> to vector<16xf32>
          %mul3A_161 = arith.mulf %get3A_160, %mul3A_138 : vector<16xf32>
          %add3A_162 = arith.addf %mul3A_155, %mul3A_161 : vector<16xf32>
          %jit3A_163 = arith.constant 0.000000e+00 : f32
          %broadcast_in_dim3A_164 = vector.broadcast %jit3A_163 : f32 to vector<16xf32>
          %select_n3A_165 = arith.select %ge3A_103, %add3A_162, %broadcast_in_dim3A_164 : vector<16xi1>, vector<16xf32>
          %add3A_166 = arith.addf %while3A_75, %select_n3A_165 : vector<16xf32>
          %slice3A_167 = vector.extract_strided_slice %get3A_81 {offsets = [1], sizes = [1], strides = [1]} : vector<16xf32> to vector<1xf32>
          %squeeze3A_168 = vector.extract %slice3A_167[0] : f32 from vector<1xf32>
          %sub3A_169 = vector.broadcast %squeeze3A_168 : f32 to vector<16xf32>
          %sub3A_170 = arith.subf %get3A_42, %sub3A_169 : vector<16xf32>
          %slice3A_171 = vector.extract_strided_slice %get3A_89 {offsets = [1], sizes = [1], strides = [1]} : vector<16xf32> to vector<1xf32>
          %squeeze3A_172 = vector.extract %slice3A_171[0] : f32 from vector<1xf32>
          %sub3A_173 = vector.broadcast %squeeze3A_172 : f32 to vector<16xf32>
          %sub3A_174 = arith.subf %get3A_48, %sub3A_173 : vector<16xf32>
          %slice3A_175 = vector.extract_strided_slice %get3A_97 {offsets = [1], sizes = [1], strides = [1]} : vector<16xf32> to vector<1xf32>
          %squeeze3A_176 = vector.extract %slice3A_175[0] : f32 from vector<1xf32>
          %sub3A_177 = vector.broadcast %squeeze3A_176 : f32 to vector<16xf32>
          %sub3A_178 = arith.subf %get3A_54, %sub3A_177 : vector<16xf32>
          %mul3A_179 = arith.mulf %sub3A_170, %sub3A_170 : vector<16xf32>
          %mul3A_180 = arith.mulf %sub3A_174, %sub3A_174 : vector<16xf32>
          %add3A_181 = arith.addf %mul3A_179, %mul3A_180 : vector<16xf32>
          %mul3A_182 = arith.mulf %sub3A_178, %sub3A_178 : vector<16xf32>
          %add3A_183 = arith.addf %add3A_181, %mul3A_182 : vector<16xf32>
          %bitcast_convert_type3A_184 = tpu.bitcast %add3A_183 : vector<16xf32> -> vector<16xi32>
          %shift_right_arithmetic3A_185 = arith.constant 1 : i32
          %shift_right_arithmetic3A_186 = vector.broadcast %shift_right_arithmetic3A_185 : i32 to vector<16xi32>
          %shift_right_arithmetic3A_187 = arith.shrsi %bitcast_convert_type3A_184, %shift_right_arithmetic3A_186 : vector<16xi32>
          %sub3A_188 = arith.constant 1597463007 : i32
          %sub3A_189 = vector.broadcast %sub3A_188 : i32 to vector<16xi32>
          %sub3A_190 = arith.subi %sub3A_189, %shift_right_arithmetic3A_187 : vector<16xi32>
          %bitcast_convert_type3A_191 = tpu.bitcast %sub3A_190 : vector<16xi32> -> vector<16xf32>
          %mul3A_192 = arith.constant 5.000000e-01 : f32
          %mul3A_193 = vector.broadcast %mul3A_192 : f32 to vector<16xf32>
          %mul3A_194 = arith.mulf %mul3A_193, %add3A_183 : vector<16xf32>
          %mul3A_195 = arith.mulf %mul3A_194, %bitcast_convert_type3A_191 : vector<16xf32>
          %mul3A_196 = arith.mulf %mul3A_195, %bitcast_convert_type3A_191 : vector<16xf32>
          %sub3A_197 = arith.constant 1.500000e+00 : f32
          %sub3A_198 = vector.broadcast %sub3A_197 : f32 to vector<16xf32>
          %sub3A_199 = arith.subf %sub3A_198, %mul3A_196 : vector<16xf32>
          %mul3A_200 = arith.mulf %bitcast_convert_type3A_191, %sub3A_199 : vector<16xf32>
          %mul3A_201 = arith.mulf %mul3A_194, %mul3A_200 : vector<16xf32>
          %mul3A_202 = arith.mulf %mul3A_201, %mul3A_200 : vector<16xf32>
          %sub3A_203 = arith.constant 1.500000e+00 : f32
          %sub3A_204 = vector.broadcast %sub3A_203 : f32 to vector<16xf32>
          %sub3A_205 = arith.subf %sub3A_204, %mul3A_202 : vector<16xf32>
          %mul3A_206 = arith.mulf %mul3A_200, %sub3A_205 : vector<16xf32>
          %mul3A_207 = arith.mulf %mul3A_206, %mul3A_206 : vector<16xf32>
          %mul3A_208 = arith.mulf %mul3A_207, %mul3A_207 : vector<16xf32>
          %mul3A_209 = arith.mulf %mul3A_208, %mul3A_207 : vector<16xf32>
          %add3A_210 = arith.constant 960 : i32
          %add3A_211 = arith.addi %add3A_210, %mul3A_39 : i32
          %get3A_212 = arith.index_cast %add3A_211 : i32 to index
          %get3A_213 = tpu.vector_load %arg4[%get3A_212] {strides = array<i32>} : memref<1456xf32, #tpu.memory_space<vmem>>, vector<16xf32>,
          %get3A_214 = vector.shape_cast %get3A_213 : vector<16xf32> to vector<16xf32>
          %mul3A_215 = arith.mulf %get3A_214, %mul3A_209 : vector<16xf32>
          %add3A_216 = arith.constant 1248 : i32
          %add3A_217 = arith.addi %add3A_216, %mul3A_39 : i32
          %get3A_218 = arith.index_cast %add3A_217 : i32 to index
          %get3A_219 = tpu.vector_load %arg4[%get3A_218] {strides = array<i32>} : memref<1456xf32, #tpu.memory_space<vmem>>, vector<16xf32>,
          %get3A_220 = vector.shape_cast %get3A_219 : vector<16xf32> to vector<16xf32>
          %mul3A_221 = arith.mulf %mul3A_215, %mul3A_215 : vector<16xf32>
          %sub3A_222 = arith.subf %mul3A_221, %mul3A_215 : vector<16xf32>
          %mul3A_223 = arith.mulf %get3A_220, %sub3A_222 : vector<16xf32>
          %add3A_224 = arith.constant 672 : i32
          %add3A_225 = arith.addi %add3A_224, %mul3A_39 : i32
          %get3A_226 = arith.index_cast %add3A_225 : i32 to index
          %get3A_227 = tpu.vector_load %arg4[%get3A_226] {strides = array<i32>} : memref<1456xf32, #tpu.memory_space<vmem>>, vector<16xf32>,
          %get3A_228 = vector.shape_cast %get3A_227 : vector<16xf32> to vector<16xf32>
          %mul3A_229 = arith.mulf %get3A_228, %mul3A_206 : vector<16xf32>
          %add3A_230 = arith.addf %mul3A_223, %mul3A_229 : vector<16xf32>
          %jit3A_231 = arith.constant 0.000000e+00 : f32
          %broadcast_in_dim3A_232 = vector.broadcast %jit3A_231 : f32 to vector<16xf32>
          %select_n3A_233 = arith.select %ge3A_103, %add3A_230, %broadcast_in_dim3A_232 : vector<16xi1>, vector<16xf32>
          %add3A_234 = arith.addf %add3A_166, %select_n3A_233 : vector<16xf32>
          %slice3A_235 = vector.extract_strided_slice %get3A_81 {offsets = [2], sizes = [1], strides = [1]} : vector<16xf32> to vector<1xf32>
          %squeeze3A_236 = vector.extract %slice3A_235[0] : f32 from vector<1xf32>
          %sub3A_237 = vector.broadcast %squeeze3A_236 : f32 to vector<16xf32>
          %sub3A_238 = arith.subf %get3A_42, %sub3A_237 : vector<16xf32>
          %slice3A_239 = vector.extract_strided_slice %get3A_89 {offsets = [2], sizes = [1], strides = [1]} : vector<16xf32> to vector<1xf32>
          %squeeze3A_240 = vector.extract %slice3A_239[0] : f32 from vector<1xf32>
          %sub3A_241 = vector.broadcast %squeeze3A_240 : f32 to vector<16xf32>
          %sub3A_242 = arith.subf %get3A_48, %sub3A_241 : vector<16xf32>
          %slice3A_243 = vector.extract_strided_slice %get3A_97 {offsets = [2], sizes = [1], strides = [1]} : vector<16xf32> to vector<1xf32>
          %squeeze3A_244 = vector.extract %slice3A_243[0] : f32 from vector<1xf32>
          %sub3A_245 = vector.broadcast %squeeze3A_244 : f32 to vector<16xf32>
          %sub3A_246 = arith.subf %get3A_54, %sub3A_245 : vector<16xf32>
          %mul3A_247 = arith.mulf %sub3A_238, %sub3A_238 : vector<16xf32>
          %mul3A_248 = arith.mulf %sub3A_242, %sub3A_242 : vector<16xf32>
          %add3A_249 = arith.addf %mul3A_247, %mul3A_248 : vector<16xf32>
          %mul3A_250 = arith.mulf %sub3A_246, %sub3A_246 : vector<16xf32>
          %add3A_251 = arith.addf %add3A_249, %mul3A_250 : vector<16xf32>
          %bitcast_convert_type3A_252 = tpu.bitcast %add3A_251 : vector<16xf32> -> vector<16xi32>
          %shift_right_arithmetic3A_253 = arith.constant 1 : i32
          %shift_right_arithmetic3A_254 = vector.broadcast %shift_right_arithmetic3A_253 : i32 to vector<16xi32>
          %shift_right_arithmetic3A_255 = arith.shrsi %bitcast_convert_type3A_252, %shift_right_arithmetic3A_254 : vector<16xi32>
          %sub3A_256 = arith.constant 1597463007 : i32
          %sub3A_257 = vector.broadcast %sub3A_256 : i32 to vector<16xi32>
          %sub3A_258 = arith.subi %sub3A_257, %shift_right_arithmetic3A_255 : vector<16xi32>
          %bitcast_convert_type3A_259 = tpu.bitcast %sub3A_258 : vector<16xi32> -> vector<16xf32>
          %mul3A_260 = arith.constant 5.000000e-01 : f32
          %mul3A_261 = vector.broadcast %mul3A_260 : f32 to vector<16xf32>
          %mul3A_262 = arith.mulf %mul3A_261, %add3A_251 : vector<16xf32>
          %mul3A_263 = arith.mulf %mul3A_262, %bitcast_convert_type3A_259 : vector<16xf32>
          %mul3A_264 = arith.mulf %mul3A_263, %bitcast_convert_type3A_259 : vector<16xf32>
          %sub3A_265 = arith.constant 1.500000e+00 : f32
          %sub3A_266 = vector.broadcast %sub3A_265 : f32 to vector<16xf32>
          %sub3A_267 = arith.subf %sub3A_266, %mul3A_264 : vector<16xf32>
          %mul3A_268 = arith.mulf %bitcast_convert_type3A_259, %sub3A_267 : vector<16xf32>
          %mul3A_269 = arith.mulf %mul3A_262, %mul3A_268 : vector<16xf32>
          %mul3A_270 = arith.mulf %mul3A_269, %mul3A_268 : vector<16xf32>
          %sub3A_271 = arith.constant 1.500000e+00 : f32
          %sub3A_272 = vector.broadcast %sub3A_271 : f32 to vector<16xf32>
          %sub3A_273 = arith.subf %sub3A_272, %mul3A_270 : vector<16xf32>
          %mul3A_274 = arith.mulf %mul3A_268, %sub3A_273 : vector<16xf32>
          %mul3A_275 = arith.mulf %mul3A_274, %mul3A_274 : vector<16xf32>
          %mul3A_276 = arith.mulf %mul3A_275, %mul3A_275 : vector<16xf32>
          %mul3A_277 = arith.mulf %mul3A_276, %mul3A_275 : vector<16xf32>
          %add3A_278 = arith.constant 1056 : i32
          %add3A_279 = arith.addi %add3A_278, %mul3A_39 : i32
          %get3A_280 = arith.index_cast %add3A_279 : i32 to index
          %get3A_281 = tpu.vector_load %arg4[%get3A_280] {strides = array<i32>} : memref<1456xf32, #tpu.memory_space<vmem>>, vector<16xf32>,
          %get3A_282 = vector.shape_cast %get3A_281 : vector<16xf32> to vector<16xf32>
          %mul3A_283 = arith.mulf %get3A_282, %mul3A_277 : vector<16xf32>
          %add3A_284 = arith.constant 1344 : i32
          %add3A_285 = arith.addi %add3A_284, %mul3A_39 : i32
          %get3A_286 = arith.index_cast %add3A_285 : i32 to index
          %get3A_287 = tpu.vector_load %arg4[%get3A_286] {strides = array<i32>} : memref<1456xf32, #tpu.memory_space<vmem>>, vector<16xf32>,
          %get3A_288 = vector.shape_cast %get3A_287 : vector<16xf32> to vector<16xf32>
          %mul3A_289 = arith.mulf %mul3A_283, %mul3A_283 : vector<16xf32>
          %sub3A_290 = arith.subf %mul3A_289, %mul3A_283 : vector<16xf32>
          %mul3A_291 = arith.mulf %get3A_288, %sub3A_290 : vector<16xf32>
          %add3A_292 = arith.constant 768 : i32
          %add3A_293 = arith.addi %add3A_292, %mul3A_39 : i32
          %get3A_294 = arith.index_cast %add3A_293 : i32 to index
          %get3A_295 = tpu.vector_load %arg4[%get3A_294] {strides = array<i32>} : memref<1456xf32, #tpu.memory_space<vmem>>, vector<16xf32>,
          %get3A_296 = vector.shape_cast %get3A_295 : vector<16xf32> to vector<16xf32>
          %mul3A_297 = arith.mulf %get3A_296, %mul3A_274 : vector<16xf32>
          %add3A_298 = arith.addf %mul3A_291, %mul3A_297 : vector<16xf32>
          %jit3A_299 = arith.constant 0.000000e+00 : f32
          %broadcast_in_dim3A_300 = vector.broadcast %jit3A_299 : f32 to vector<16xf32>
          %select_n3A_301 = arith.select %ge3A_103, %add3A_298, %broadcast_in_dim3A_300 : vector<16xi1>, vector<16xf32>
          %add3A_302 = arith.addf %add3A_234, %select_n3A_301 : vector<16xf32>
          scf.yield %add3A_302 : vector<16xf32>
        }
        scf.yield %while3A_73 : vector<16xf32>
      }
      %scan3A_29 = arith.constant 6 : i32
      %mul3A_30 = arith.constant 16 : i32
      %mul3A_31 = arith.muli %scan3A_19, %mul3A_30 : i32
      %swap3A = arith.index_cast %mul3A_31 : i32 to index
      %swap3A_32 = tpu.vector_load %arg5[%swap3A] {strides = array<i32>} : memref<32xf32, #tpu.memory_space<vmem>>, vector<16xf32>,
      %swap3A_33 = vector.shape_cast %swap3A_32 : vector<16xf32> to vector<16xf32>
      %swap3A_34 = vector.shape_cast %scan3A_28 : vector<16xf32> to vector<16xf32>
      tpu.vector_store %arg5[%swap3A], %swap3A_34 {strides = array<i32>} : memref<32xf32, #tpu.memory_space<vmem>>, vector<16xf32>,
      %scan3A_35 = arith.constant 0 : i32
      scf.yield %scan3A_35 : i32
    }
    %scan3A_18 = arith.constant 2 : i32
    %barrier3A = arith.constant 0 : index
    tpu.barrier barrier_id(%barrier3A)
    "tpu.region"() ({
      %run_scoped3A = tpu.sem_alloc : memref<!tpu.dma_semaphore, #tpu.memory_space<semaphore_mem>>
      %dma_start3A_19 = arith.constant 0 : i32
      %dma_start3A_20 = tpu.memref_slice %arg3[%add3A, %dma_start3A_19] : memref<32x32xf32, #tpu.memory_space<hbm>> -> memref<1x32xf32, #tpu.memory_space<hbm>>
      %dma_start3A_21 = tpu.memref_squeeze %dma_start3A_20 : memref<1x32xf32, #tpu.memory_space<hbm>> -> memref<32xf32, #tpu.memory_space<hbm>>
      %dma_start3A_22 = arith.constant 0 : i32
      %dma_start3A_23 = tpu.memref_slice %arg3[%add3A, %dma_start3A_22] : memref<32x32xf32, #tpu.memory_space<hbm>> -> memref<1x32xf32, #tpu.memory_space<hbm>>
      %dma_start3A_24 = tpu.memref_squeeze %dma_start3A_23 : memref<1x32xf32, #tpu.memory_space<hbm>> -> memref<32xf32, #tpu.memory_space<hbm>>
      tpu.enqueue_dma source(%arg5 : memref<32xf32, #tpu.memory_space<vmem>>) target(%dma_start3A_24 : memref<32xf32, #tpu.memory_space<hbm>>) target_semaphore(%run_scoped3A : memref<!tpu.dma_semaphore, #tpu.memory_space<semaphore_mem>>)
      %dma_wait3A_25 = arith.constant 0 : i32
      %dma_wait3A_26 = tpu.memref_slice %arg3[%add3A, %dma_wait3A_25] : memref<32x32xf32, #tpu.memory_space<hbm>> -> memref<1x32xf32, #tpu.memory_space<hbm>>
      %dma_wait3A_27 = tpu.memref_squeeze %dma_wait3A_26 : memref<1x32xf32, #tpu.memory_space<hbm>> -> memref<32xf32, #tpu.memory_space<hbm>>
      %dma_wait3A_28 = arith.constant 0 : i32
      %dma_wait3A_29 = tpu.memref_slice %arg3[%add3A, %dma_wait3A_28] : memref<32x32xf32, #tpu.memory_space<hbm>> -> memref<1x32xf32, #tpu.memory_space<hbm>>
      %dma_wait3A_30 = tpu.memref_squeeze %dma_wait3A_29 : memref<1x32xf32, #tpu.memory_space<hbm>> -> memref<32xf32, #tpu.memory_space<hbm>>
      tpu.wait_dma2 semaphore(%run_scoped3A : memref<!tpu.dma_semaphore, #tpu.memory_space<semaphore_mem>>) src(%arg5 : memref<32xf32, #tpu.memory_space<vmem>>) dst(%dma_wait3A_30 : memref<32xf32, #tpu.memory_space<hbm>>)
      tpu.yield
    }) : () -> ()
    return
  }
}

</mosaic_0001>

<sc_bundles>
// kernel: kernel.3.cloned.1.call-start
scs
__scs_entry_jumppad:
0x0: {  	(pc) =	sbr.rel $0x88, $3  }
0x1: {  	(tag) =	ssettag $0x0;
	lr =	simm.s32 $0x1  }
0x2: {  	[smem:$0x3F9E] =	sst lr;
	_ =	strace $0xD0000000  }
0x3: {  	_ = 	snop  }
0x4: {  	_ = 	snop  }
0x5: {  	_ = 	snop  }
0x6: {  	_ = 	snop  }
0x7: {  	_ = 	snop  }
__scs_overlays_trampoline_lowered:
0x8: {  	[smem:$0x3FAD] =	sst s0  }
0x9: {  	[smem:$0x3FAE] =	sst s1  }
0xa: {  	[smem:$0x3FAF] =	sst s2  }
0xb: {  	[smem:$0x3FB0] =	sst s3  }
0xc: {  	[smem:$0x3FB1] =	sst s4  }
0xd: {  	[smem:$0x3FB2] =	sst s5  }
0xe: {  	[smem:$0x3FB3] =	sst s6  }
0xf: {  	[smem:$0x3FB4] =	sst s7  }
0x10: {  	[smem:$0x3FB5] =	sst s8  }
0x11: {  	[smem:$0x3FB6] =	sst s9;
	s0 =	simm.s32 @!p0 $0x0  }
0x12: {  	s1 =	sld [smem:$0x3F9C];
	s0 =	simm.s32 @p0 $0x1  }
0x13: {  	[smem:$0x3FB7] =	sst s0;
	s0 =	simm.s32 @!p1 $0x0  }
0x14: {  	s2 =	sld [smem:$0x3F9B];
	s0 =	simm.s32 @p1 $0x1  }
0x15: {  	[smem:$0x3FB8] =	sst s0;
	s0 =	simm.s32 @!p2 $0x0  }
0x16: {  	s3 =	sld [smem:$0x3FDB];
	s0 =	simm.s32 @p2 $0x1  }
0x17: {  	s4 =	simm.s32 $0x1BF5;
	[smem:$0x3FBA] =	sst s0  }
0x18: {  	s0 =	sld [smem:$0x3F9D];
	_ =	swait.ge [sflag:s4], $0x0  }
0x19: {  	s7 =	sld [smem:$0x3F9E]  }
0x1a: {  	s8 =	sadd.s32 $0xFFFFE003, lr  }
0x1b: {  	s9 =	sadd.s32 $0xFFFFFEF7, lr;
	s5 =	simm.s32 $0xFFFFFFFF;
	p2 =	slt.u32 s8, $0xFFFFF086  }
0x1c: {  	p1 =	slt.u32 s9, $0xF7A;
	s5 =	simm.s32 @!p2 $0x0  }
0x1d: {  	s5 =	simm.s32 @p1 $0x1;
	p0 =	seq.s32 s7, s2  }
0x1e: {  	s7 =	smul.u32 @!p0 $0xF7A, s2;
	p2 =	seq.s32 @!p0 s5, $0x0  }
0x1f: {  	s9 =	smul.u32 $0xF7A, s1;
	s8 =	simm.s32 @!p0 $0x1BF5;
	p2 =	por !p2, p0  }
0x20: {  	[sflag:s8] =	ssyncset.s32 @!p0 $0xFFFFF086;
	s6 =	sadd.s32 @!p0 s3, s7;
	s7 =	simm.s32 @!p0 $0x108  }
0x21: {  	s3 =	sadd.s32 s3, s9;
	s6 =	sadd.s32 @!p0 $0x88, s6;
	s7 =	simm.s32 @p2 $0x1082  }
0x22: {  	[simem:s7], [sflag:s8] =	dma.local @!p0 [hbm:s6], $0xF7A  }
0x23: {  	s9 =	sor.u32 $0xD0000000, s2;
	s6 =	simm.s32 $0x108;
	_ =	swait.ge @!p0 [sflag:s8], $0x0  }
0x24: {  	s3 =	sadd.s32 $0x88, s3;
	s6 =	simm.s32 @!p1 $0x1082;
	[sflag:s4] =	ssyncset.s32 $0xFFFFF086  }
0x25: {  	[simem:s6], [sflag:s4] =	dma.local [hbm:s3], $0xF7A  }
0x26: {  	[smem:$0x3F9E] =	sst s1;
	(tag) =	ssettag s2;
	_ =	strace s9  }
0x27: {  	s1 =	sld [smem:$0x3FAE]  }
0x28: {  	s2 =	sld [smem:$0x3FAF]  }
0x29: {  	s4 =	sld [smem:$0x3FB1]  }
0x2a: {  	p0 =	seq.s32 s5, $0x0;
	s5 =	sld [smem:$0x3FB2]  }
0x2b: {  	s6 =	sld [smem:$0x3FB3]  }
0x2c: {  	s7 =	sld [smem:$0x3FB4]  }
0x2d: {  	s3 =	simm.s32 $0x108;
	s8 =	sld [smem:$0x3FB5]  }
0x2e: {  	s3 =	simm.s32 @!p0 $0x1082;
	s9 =	sld [smem:$0x3FB6]  }
0x2f: {  	lr =	sadd.s32 s0, s3;
	s0 =	sld [smem:$0x3FAD]  }
0x30: {  	s3 =	sld [smem:$0x3FB0]  }
0x31: {  	[smem:$0x3FB9] =	sst s10  }
0x32: {  	s10 =	sld [smem:$0x3FB7];
	_ =	sdelay $0x3  }
0x33: {  	p0 =	seq.s32 s10, $0x1;
	s10 =	sld [smem:$0x3FB9];
	_ =	sdelay $0x3  }
0x34: {  	[smem:$0x3FB9] =	sst s10  }
0x35: {  	s10 =	sld [smem:$0x3FB8];
	_ =	sdelay $0x3  }
0x36: {  	p1 =	seq.s32 s10, $0x1;
	s10 =	sld [smem:$0x3FB9];
	_ =	sdelay $0x3  }
0x37: {  	[smem:$0x3FB9] =	sst s10  }
0x38: {  	s10 =	sld [smem:$0x3FBA]  }
0x39: {  	_ = 	snop;
	(pc) =	sbr.ind lr, $3  }
0x3a: {  	_ = 	snop  }
0x3b: {  	_ = 	snop  }
0x3c: {  	p2 =	seq.s32 s10, $0x1;
	s10 =	sld [smem:$0x3FB9]  }
0x3d: {  	_ =	shalt  }
0x3e: {  	_ =	shalt  }
0x3f: {  	_ =	shalt  }
0x40: {  	_ =	shalt  }
0x41: {  	_ =	shalt  }
0x42: {  	_ =	shalt  }
0x43: {  	_ =	shalt  }
0x44: {  	_ =	shalt  }
0x45: {  	_ =	shalt  }
0x46: {  	_ =	shalt  }
0x47: {  	_ =	shalt  }
0x48: {  	_ =	shalt  }
0x49: {  	_ =	shalt  }
0x4a: {  	_ =	shalt  }
0x4b: {  	_ =	shalt  }
0x4c: {  	_ =	shalt  }
0x4d: {  	_ =	shalt  }
0x4e: {  	_ =	shalt  }
0x4f: {  	_ =	shalt  }
0x50: {  	_ =	shalt  }
0x51: {  	_ =	shalt  }
0x52: {  	_ =	shalt  }
0x53: {  	_ =	shalt  }
0x54: {  	_ =	shalt  }
0x55: {  	_ =	shalt  }
0x56: {  	_ =	shalt  }
0x57: {  	_ =	shalt  }
0x58: {  	_ =	shalt  }
0x59: {  	_ =	shalt  }
0x5a: {  	_ =	shalt  }
0x5b: {  	_ =	shalt  }
0x5c: {  	_ =	shalt  }
0x5d: {  	_ =	shalt  }
0x5e: {  	_ =	shalt  }
0x5f: {  	_ =	shalt  }
0x60: {  	_ =	shalt  }
0x61: {  	_ =	shalt  }
0x62: {  	_ =	shalt  }
0x63: {  	_ =	shalt  }
0x64: {  	_ =	shalt  }
0x65: {  	_ =	shalt  }
0x66: {  	_ =	shalt  }
0x67: {  	_ =	shalt  }
0x68: {  	_ =	shalt  }
0x69: {  	_ =	shalt  }
0x6a: {  	_ =	shalt  }
0x6b: {  	_ =	shalt  }
0x6c: {  	_ =	shalt  }
0x6d: {  	_ =	shalt  }
0x6e: {  	_ =	shalt  }
0x6f: {  	_ =	shalt  }
0x70: {  	_ =	shalt  }
0x71: {  	_ =	shalt  }
0x72: {  	_ =	shalt  }
0x73: {  	_ =	shalt  }
0x74: {  	_ =	shalt  }
0x75: {  	_ =	shalt  }
0x76: {  	_ =	shalt  }
0x77: {  	_ =	shalt  }
0x78: {  	_ =	shalt  }
0x79: {  	_ =	shalt  }
0x7a: {  	_ =	shalt  }
0x7b: {  	_ =	shalt  }
0x7c: {  	_ =	shalt  }
0x7d: {  	_ =	shalt  }
0x7e: {  	_ =	shalt  }
0x7f: {  	_ =	shalt  }
0x80: {  	_ =	shalt  }
0x81: {  	_ =	shalt  }
0x82: {  	_ =	shalt  }
0x83: {  	_ =	shalt  }
0x84: {  	_ =	shalt  }
0x85: {  	_ =	shalt  }
0x86: {  	_ =	shalt  }
0x87: {  	_ =	shalt  }
.Lfunc_end0:
.L_simem_size_0:
called_computation_lowered:
.L_overlay_start_0:
0x88: {  	s2 =	sld [smem:$0x3FD9]  }
0x89: {  	s3 =	sld [smem:$0x3FFE];
	_ =	sdelay $0x1  }
0x8a: {  	s1 =	srdreg.scid  }
0x8b: {  	s0 =	sand.u32 $0x1, s1  }
0x8c: {  	s16 =	sshll.u32 s0, $0xA;
	s2 =	sadd.s32 s3, s2  }
0x8d: {  	s2 =	sadd.s32 s2, s16  }
0x8e: {  	[smem:$0x3FC5] =	sst s2  }
0x8f: {  	_ = 	snop  }
0x90: {  	(tm) =	ssettm $0x1  }
0x91: {  	s17 =	sld [smem:$0x3FFB];
	_ =	sdelay $0x3  }
0x92: {  	_ =	strace s17  }
0x93: {  	s2 =	sld [smem:$0x3FFC];
	_ =	sdelay $0x3  }
0x94: {  	_ =	strace s2  }
0x95: {  	s2 =	sld [smem:$0x3FFD];
	_ =	sdelay $0x3  }
0x96: {  	_ =	strace s2  }
0x97: {  	_ =	strace $0x8FFFFFFF  }
0x98: {  	s18 =	sld [smem:$0x3FDB];
	_ =	sdelay $0x1  }
0x99: {  	s19 =	simm.s32 $_scs_section_size  }
0x9a: {  	s4 =	simm.s32 $_size__tile_overlayer_lowered;
	s5 =	simm.s32 $_tile_overlayer_lowered  }
0x9b: {  	s22 =	simm.s32 $0x1BFF;
	s21 =	sshll.u32 s5, $0x1;
	s2 =	sadd.s32 s19, s18  }
0x9c: {  	s6 =	simm.s32 $0x0;
	s20 =	sshll.u32 s4, $0x1;
	s4 =	sadd.s32 s21, s2  }
0x9d: {  	[timem:s6], [sflag:s22] =	dma.local [hbm:s4], s20  }
0x9e: {  	_ =	swait.ge [sflag:s22], s20  }
0x9f: {  	s3 =	ssub.s32 $0x0, s20;
	[sflag:s22] =	ssyncset.done $0x0  }
0xa0: {  	[sflag:s22] =	ssyncadd.s32 s3;
	_ =	sdelay $0x1  }
0xa1: {  	s23 =	simm.s32 $0x1B8B  }
0xa2: {  	_ =	swait.ge [sflag:s23], $0x1  }
0xa3: {  	[sflag:s23] =	ssyncset.done $0x0  }
0xa4: {  	s25 =	simm.s32 $0x1B8E;
	s24 =	sld [smem:$0x3FFE];
	[sflag:s23] =	ssyncadd.s32 $0xFFFFFFFF  }
0xa5: {  	s26 =	simm.s32 $execute0_lowered;
	[smem:$0x3FD2] =	sst s25  }
0xa6: {  	s4 =	sshll.u32 s26, $0x1;
	_ =	strace $0x80000046;
	[dreg:$0x1] =	wrdreg $0xFFFFFFFF  }
0xa7: {  	s28 =	simm.s32 $_size_execute0_lowered;
	s2 =	sadd.s32 s2, s4;
	[dreg:$0x0] =	wrdreg $0x0  }
0xa8: {  	s4 =	sshll.u32 s28, $0x1;
	[dreg:$0x2] =	wrdreg s2  }
0xa9: {  	[dreg:$0x3] =	wrdreg s4  }
0xaa: {  	[dreg:$0x4] =	wrdreg $0xC0  }
0xab: {  	_ =	task [dreg:s6], $0x5FFFF  }
0xac: {  	[dreg:$0x1] =	wrdreg $0xFFFFFFFF  }
0xad: {  	[dreg:$0x0] =	wrdreg $0x60  }
0xae: {  	[dreg:$0x2] =	wrdreg s24  }
0xaf: {  	[dreg:$0x3] =	wrdreg $0x9  }
0xb0: {  	_ =	task.clear_ibuf [dreg:s6], $0x4FFFF;
	_ =	strace $0x90000046  }
0xb1: {  	s29 =	simm.s32 $0x9;
	_ =	strace $0x80000048  }
0xb2: {  	_ =	swait.ge [sflag:s29], $0x1  }
0xb3: {  	[sflag:s29] =	ssyncadd.s32 $0xFFFFFFFF  }
0xb4: {  	_ =	strace $0x90000048  }
0xb5: {  	_ =	sfence  }
0xb6: {  	s30 =	sld [smem:$0x0];
	_ =	sdelay $0x2  }
0xb7: {  	s31 =	sshll.u32 s1, $0xD;
	s1 =	sshrl.u32 s1, $0x2  }
0xb8: {  	s3 =	sand.u32 $0x4000, s31;
	s1 =	sadd.s32 s1, s30  }
0xb9: {  	s0 =	sor.u32 s3, s0;
	s1 =	sshll.u32 s1, $0x11  }
0xba: {  	s0 =	sor.u32 s1, s0  }
0xbb: {  	s0 =	sadd.s32 $0x8F2B, s0  }
0xbc: {  	[sflag:s0] =	ssyncadd.remote.s32 $0x1  }
0xbd: {  	_ =	sfence.sel $0xFFFF  }
0xbe: {  	[dreg:$0x0] =	wrdreg $0xFFFFFFFF;
	(pc) =	sbr.abs _section_cstart, $3  }
0xbf: {  	[dreg:$0x1] =	wrdreg $0xFFFFFFFF  }
0xc0: {  	_ =	task.clear_ibuf [dreg:s6], $0x2FFFF;
	_ =	strace $0x9FFFFFFF  }
0xc1: {  	(tm) =	ssettm $0x7FFFFFFF  }
tec
execute0_lowered:
.L_overlay_start_1:
0x0: {  	(tag) =	ssettag $0x1  }
0x1: {  	s1 =	srdreg.scid  }
0x2: {  	s0 =	stileid.u32;
	s3 =	rddreg [dreg:$0x0];
	s2 =	simm.s32 $0x0  }
0x3: {  	s8 =	simm.s32 $0x2;
	s4 =	sand.u32 $0x1, s1;
	s1 =	rddreg [dreg:$0x1]  }
0x4: {  	s9 =	simm.s32 $0x0;
	s5 =	sshll.u32 s0, $0x1;
	[smem:$0x7FF] =	sst s2  }
.Ltmp0:
0x5: {  	s5 =	sor.u32 s4, s5;
	s4 =	ssub.s32 $0x2, s4;
	(pc) =	sbr.rel .LBB2_1-.Ltmp0, $4  }
0x6: {  	s6 =	smul.u32 $0xB4, s5;
	s5 =	sshll.u32 s5, $0x4;
	s7 =	sshrl.u32 s4, $0x1  }
0x7: {  	_ =	strace $0x80000047;
	s5 =	sadd.s32 s5, s3;
	s7 =	ssub.s32 s4, s7  }
0x8: {  	s6 =	sadd.s32 s6, s3;
	s4 =	sadd.s32 $0x2200, s5;
	s5 =	smax.u32 s7, $0x1  }
0x9: {  	v0 =	vlaneseq.u32;
	s7 =	simm.s32 $0x600;
	s3 =	sadd.s32 $0xA00, s6;
	s6 =	simm.s32 $0x1  }
.LBB2_11:
0xa: {  	s9 =	sadd.s32 $0x1, s9  }
0xb: {  	p0 =	sne.s32 s9, s5  }
.Ltmp1:
0xc: {  	[bflag:$0x0] =	sbarrier.arrive $0xFFFF;
	(pc) =	sbr.rel @!p0 .LBB2_12-.Ltmp1, $4  }
0xd: {  	[hbm4b:s4+s2] =	stream.linear.scatter [tilespmem:s7], [sflag:$0x2], $0x80, $0x38;
	[tilespmem:$0x680] =	vst v63  }
0xe: {  	_ =	swait.ge [sflag:s8], $0x80  }
0xf: {  	[sflag:s8] =	ssyncset.done $0x0  }
0x10: {  	[sflag:s8] =	ssyncadd.s32 $0xFFFFFF80  }
.LBB2_1:
.Ltmp2:
0x11: {  	(pc) =	sbr.rel .LBB2_2-.Ltmp2, $4  }
0x12: {  	[tilespmem:s2], [sflag:$0x1] =	stream.linear.gather [hbm4b:s3+s2], $0x5A0, $0x38;
	[tilespmem:$0x680] =	vst v63  }
0x13: {  	_ =	swait.ge [sflag:s6], $0x5A0  }
0x14: {  	[sflag:s6] =	ssyncset.done $0x0  }
0x15: {  	p1 =	por $0x1, $0x1;
	s10 =	simm.s32 $0x0;
	[sflag:s6] =	ssyncadd.s32 $0xFFFFFA60  }
.LBB2_10:
.Ltmp3:
0x16: {  	(pc) =	sbr.rel @!p0 .LBB2_11-.Ltmp3, $4  }
0x17: {  	_ = 	snop  }
0x18: {  	s10 =	sshll.u32 s10, $0x4  }
0x19: {  	s10 =	sand.u32 $0x3FFFFFF0, s10  }
0x1a: {  	p1 =	por $0x0, $0x0;
	[tilespmem:s10+$0x600] =	vst v4;
	s10 =	simm.s32 $0x1  }
.LBB2_2:
0x1b: {  	s11 =	smul.u32 $0x180, s10;
	_ =	sdelay $0x1  }
0x1c: {  	s13 =	sshra.s32 s11, $0x2  }
0x1d: {  	v4 =	vimm.f32 $0.0e+00;
	s11 =	sadd.s32 $0xC0, s13;
	s14 =	sadd.s32 $0x180, s13  }
0x1e: {  	p0 =	por p1, p1;
	s12 =	simm.s32 $0x0;
	v1 =	vmov s13;
	s13 =	simm.s32 $0x0;
	v2 =	vmov s11;
	v3 =	vmov s14  }
.LBB2_3:
0x1f: {  	_ = 	snop  }
0x20: {  	v5 =	vld [tilespmem:s11+$0x0]  }
0x21: {  	v6 =	vld [tilespmem:s11+$0xFFFFFF40]  }
0x22: {  	s16 =	sshll.u32 s13, $0x4;
	v7 =	vld [tilespmem:s11+$0xC0]  }
0x23: {  	v15 =	vld.idx.msk [tilespmem:v1+s16+$0x0 ss:$0x1], $0xffff  }
0x24: {  	v16 =	vld.idx.msk [tilespmem:v2+s16+$0x0 ss:$0x1], $0xffff;
	_ =	sdelay $0x1  }
0x25: {  	v17 =	vld.idx.msk [tilespmem:v3+s16+$0x0 ss:$0x1], $0xffff  }
0x26: {  	v8 =	vbroadcast v5, $0x0;
	v9 =	vbroadcast v6, $0x0;
	_ =	sdelay $0x1  }
0x27: {  	v10 =	vbroadcast v7, $0x0;
	v8 =	vsub.f32 v16, v8;
	v9 =	vsub.f32 v15, v9;
	_ =	sdelay $0x1  }
0x28: {  	v10 =	vsub.f32 v17, v10;
	v8 =	vmul.f32 v8, v8;
	v9 =	vmul.f32 v9, v9;
	_ =	sdelay $0x1  }
0x29: {  	v10 =	vmul.f32 v10, v10;
	v8 =	vadd.f32 v8, v9;
	_ =	sdelay $0x1  }
0x2a: {  	v8 =	vadd.f32 v10, v8;
	_ =	sdelay $0x1  }
0x2b: {  	v10 =	vbroadcast v5, $0x1;
	v11 =	vshra.s32 v8, $0x1;
	v13 =	vmul.f32 $5.000000000e-01, v8  }
0x2c: {  	v9 =	vbroadcast v6, $0x2;
	v6 =	vbroadcast v6, $0x1;
	v11 =	vsub.s32 $0x5F3759DF, v11  }
0x2d: {  	v5 =	vbroadcast v5, $0x2;
	v12 =	vsub.f32 v16, v10;
	v10 =	vmul.f32 v11, v13  }
0x2e: {  	v9 =	vsub.f32 v15, v9;
	v6 =	vsub.f32 v15, v6;
	v8 =	vbroadcast v7, $0x2  }
0x2f: {  	v5 =	vsub.f32 v16, v5;
	v14 =	vmul.f32 v11, v10  }
0x30: {  	v9 =	vmul.f32 v9, v9;
	v19 =	vmul.f32 v6, v6;
	v8 =	vsub.f32 v17, v8  }
0x31: {  	p1 =	sgt.u32 s13, $0x2;
	s14 =	simm.s32 $0x1;
	v5 =	vmul.f32 v5, v5;
	v18 =	vmul.f32 v12, v12;
	v14 =	vsub.f32 $1.500000000e+00, v14  }
0x32: {  	s14 =	simm.s32 @!p1 $0x0;
	v7 =	vbroadcast v7, $0x1;
	v8 =	vmul.f32 v8, v8  }
0x33: {  	s14 =	sadd.s32 s14, s12;
	v6 =	vld [tilespmem:s16+$0x240];
	v9 =	vadd.f32 v5, v9;
	v19 =	vadd.f32 v18, v19;
	v18 =	vmul.f32 v11, v14  }
0x34: {  	s15 =	smul.u32 $0x3, s14;
	v7 =	vsub.f32 v17, v7;
	v12 =	vld [tilespmem:s16+$0x3C0]  }
0x35: {  	v10 =	vld [tilespmem:s16+$0x360];
	v8 =	vadd.f32 v8, v9;
	v13 =	vmul.f32 v18, v13  }
0x36: {  	p2 =	sne.s32 s15, $0xFFFFFFF4;
	v5 =	vld [tilespmem:s16+$0x480];
	v9 =	vmul.f32 v7, v7  }
.Ltmp4:
0x37: {  	v11 =	vshra.s32 v8, $0x1;
	v23 =	vmul.f32 $5.000000000e-01, v8;
	v26 =	vmul.f32 v13, v18;
	v13 =	vld [tilespmem:s16+$0x300];
	(pc) =	sbr.rel @!p2 .LBB2_4-.Ltmp4, $4  }
0x38: {  	v7 =	vld [tilespmem:s16+$0x4E0];
	v19 =	vadd.f32 v9, v19;
	v25 =	vsub.s32 $0x5F3759DF, v11  }
0x39: {  	v11 =	vld [tilespmem:s16+$0x540];
	v21 =	vmul.f32 v25, v23  }
0x3a: {  	s18 =	sadd.s32 $0x3, s11;
	v8 =	vld [tilespmem:s16+$0x2A0];
	v9 =	vor.u32 s16, v0;
	v20 =	vshra.s32 v19, $0x1  }
0x3b: {  	p1 =	por $0x0, $0x0;
	s14 =	simm.s32 $0xFFFFFFF1;
	v14 =	vld [tilespmem:s16+$0x420];
	v22 =	vsub.s32 $0x5F3759DF, v20;
	v20 =	vmul.f32 $5.000000000e-01, v19;
	s16 =	simm.s32 $0xFFFFFFF4;
	v29 =	vmul.f32 v25, v21  }
0x3c: {  	v19 =	vld [tilespmem:s18+$0x0]  }
0x3d: {  	v24 =	vld [tilespmem:s18+$0xC0]  }
0x3e: {  	v27 =	vld [tilespmem:s18+$0xFFFFFF40]  }
0x3f: {  	v26 =	vsub.f32 $1.500000000e+00, v26;
	v21 =	vsub.f32 $1.500000000e+00, v29  }
0x40: {  	v28 =	vmul.f32 v22, v20  }
0x41: {  	v26 =	vmul.f32 v26, v18;
	v21 =	vmul.f32 v25, v21  }
0x42: {  	v28 =	vmul.f32 v22, v28;
	v25 =	vbroadcast v19, $0x0  }
0x43: {  	v29 =	vbroadcast v24, $0x0;
	v30 =	vbroadcast v27, $0x0  }
0x44: {  	v23 =	vmul.f32 v21, v23;
	v31 =	vbroadcast v19, $0x1  }
0x45: {  	v32 =	vbroadcast v27, $0x2;
	v19 =	vbroadcast v19, $0x2  }
0x46: {  	v25 =	vsub.f32 v16, v25;
	v30 =	vsub.f32 v15, v30;
	v23 =	vmul.f32 v23, v21  }
0x47: {  	v27 =	vbroadcast v27, $0x1;
	v29 =	vsub.f32 v17, v29;
	v19 =	vsub.f32 v16, v19  }
0x48: {  	v25 =	vmul.f32 v25, v25;
	v23 =	vsub.f32 $1.500000000e+00, v23;
	v30 =	vmul.f32 v30, v30  }
0x49: {  	v18 =	vbroadcast v24, $0x1;
	v32 =	vsub.f32 v15, v32;
	v29 =	vmul.f32 v29, v29  }
0x4a: {  	v19 =	vmul.f32 v19, v19;
	v21 =	vmul.f32 v23, v21;
	v23 =	vadd.f32 v25, v30  }
0x4b: {  	v28 =	vsub.f32 $1.500000000e+00, v28;
	v25 =	vbroadcast v24, $0x2;
	v30 =	vmul.f32 v32, v32  }
0x4c: {  	v31 =	vsub.f32 v16, v31;
	v63 =	vmul.f32 v21, v21;
	v23 =	vadd.f32 v29, v23  }
0x4d: {  	v25 =	vsub.f32 v17, v25;
	v29 =	vmul.f32 v22, v28;
	v19 =	vadd.f32 v19, v30  }
0x4e: {  	v22 =	vshra.s32 v23, $0x1;
	v28 =	vmul.f32 $5.000000000e-01, v23;
	v23 =	vsub.f32 v15, v27  }
0x4f: {  	v24 =	vmul.f32 v63, v63;
	v25 =	vmul.f32 v25, v25;
	v22 =	vsub.s32 $0x5F3759DF, v22  }
0x50: {  	v31 =	vmul.f32 v31, v31;
	v27 =	vmul.f32 v22, v28  }
0x51: {  	v24 =	vmul.f32 v24, v63;
	v23 =	vmul.f32 v23, v23;
	v19 =	vadd.f32 v25, v19  }
0x52: {  	v18 =	vsub.f32 v17, v18;
	v20 =	vmul.f32 v29, v20;
	v27 =	vmul.f32 v22, v27  }
0x53: {  	v32 =	vmul.f32 v24, v14;
	v31 =	vadd.f32 v31, v23;
	v25 =	vshra.s32 v19, $0x1  }
0x54: {  	v23 =	vmul.f32 $5.000000000e-01, v19;
	v19 =	vmul.f32 v20, v29;
	v24 =	vsub.f32 $1.500000000e+00, v27  }
0x55: {  	v30 =	vmul.f32 v26, v26;
	v25 =	vsub.s32 $0x5F3759DF, v25;
	v27 =	vmul.f32 v18, v18  }
0x56: {  	p2 =	sne.s32 s15, $0xFFFFFFF7;
	v19 =	vsub.f32 $1.500000000e+00, v19;
	v33 =	vmul.f32 v32, v32;
	v18 =	vmul.f32 v22, v24  }
.Ltmp5:
0x57: {  	v20 =	vadd.f32 v27, v31;
	v31 =	vmul.f32 v25, v23;
	v22 =	vmul.f32 v30, v30;
	(pc) =	sbr.rel @!p2 .LBB2_6-.Ltmp5, $4  }
0x58: {  	v24 =	vmul.f32 v26, v6;
	v27 =	vmul.f32 v18, v28  }
0x59: {  	v34 =	vshra.s32 v20, $0x1;
	v28 =	vmul.f32 v22, v30;
	v20 =	vmul.f32 $5.000000000e-01, v20  }
0x5a: {  	v26 =	vmul.f32 v27, v18;
	v27 =	vmul.f32 v19, v29  }
0x5b: {  	s17 =	simm.s32 $0xFFFFFFF7;
	s18 =	sadd.s32 $0x3, s18;
	p1 =	por $0x1, $0x1;
	v30 =	vsub.f32 v33, v32;
	v22 =	vsub.s32 $0x5F3759DF, v34;
	v29 =	vmul.f32 v25, v31;
	v19 =	vmovc v4  }
.LBB2_7:
0x5c: {  	v31 =	vld [tilespmem:s18+$0x0];
	v32 =	vmul.f32 v27, v27;
	v21 =	vmul.f32 v21, v13;
	s19 =	smov.u32 s17;
	s17 =	sadd.s32 $0x3, s17  }
0x5d: {  	v28 =	vmul.f32 v28, v10;
	v33 =	vld [tilespmem:s18+$0xC0];
	p2 =	sne.s32 s15, s17;
	v34 =	vmul.f32 v22, v20;
	v29 =	vsub.f32 $1.500000000e+00, v29  }
0x5e: {  	s20 =	sadd.s32 $0x12, s14;
	s14 =	smov.u32 s16;
	v30 =	vmul.f32 v30, v11;
	s16 =	smov.u32 s19;
	v35 =	vld [tilespmem:s18+$0xFFFFFF40];
	v36 =	vmul.f32 v32, v32  }
0x5f: {  	vm0 =	vlt.u32 v9, s20;
	v34 =	vmul.f32 v22, v34;
	v25 =	vmul.f32 v25, v29  }
0x60: {  	v29 =	vmul.f32 v28, v28;
	v30 =	vadd.f32 v30, v21;
	v32 =	vmul.f32 v36, v32  }
0x61: {  	v26 =	vsub.f32 $1.500000000e+00, v26;
	v27 =	vmul.f32 v27, v8;
	v21 =	vbroadcast v31, $0x0  }
0x62: {  	v28 =	vsub.f32 v29, v28;
	v36 =	vbroadcast v33, $0x0;
	v29 =	vmul.f32 v32, v12  }
0x63: {  	v23 =	vmul.f32 v25, v23;
	v32 =	vbroadcast v35, $0x0;
	v21 =	vsub.f32 v16, v21  }
0x64: {  	v37 =	vbroadcast v31, $0x1;
	v28 =	vmul.f32 v28, v5;
	v36 =	vsub.f32 v17, v36  }
0x65: {  	v32 =	vsub.f32 v15, v32;
	v38 =	vmul.f32 v21, v21;
	v21 =	vmul.f32 v23, v25  }
0x66: {  	v39 =	vmul.f32 v29, v29;
	v23 =	vsub.f32 v16, v37;
	v37 =	vbroadcast v35, $0x2  }
0x67: {  	v31 =	vbroadcast v31, $0x2;
	v36 =	vmul.f32 v36, v36;
	v21 =	vsub.f32 $1.500000000e+00, v21  }
0x68: {  	v29 =	vsub.f32 v39, v29;
	v23 =	vmul.f32 v23, v23;
	v37 =	vsub.f32 v15, v37  }
0x69: {  	v31 =	vsub.f32 v16, v31;
	v39 =	vbroadcast v33, $0x2;
	v21 =	vmul.f32 v21, v25  }
0x6a: {  	v29 =	vmul.f32 v29, v7;
	v25 =	vmul.f32 v32, v32;
	v32 =	vsub.f32 $1.500000000e+00, v34  }
0x6b: {  	v24 =	vadd.f32 v28, v24;
	v34 =	vmul.f32 v37, v37;
	v37 =	vmul.f32 v21, v21  }
0x6c: {  	v28 =	vbroadcast v35, $0x1;
	v31 =	vmul.f32 v31, v31;
	v25 =	vadd.f32 v38, v25  }
0x6d: {  	v35 =	vsub.f32 v17, v39;
	v32 =	vmul.f32 v22, v32;
	v22 =	vadd.f32 v29, v27  }
0x6e: {  	v26 =	vmul.f32 v26, v18;
	v18 =	vsel vm0, $0x0, v24;
	v25 =	vadd.f32 v36, v25  }
0x6f: {  	v24 =	vsub.f32 v15, v28;
	v27 =	vbroadcast v33, $0x1;
	v28 =	vmul.f32 v37, v37  }
0x70: {  	v20 =	vmul.f32 v32, v20;
	v29 =	vshra.s32 v25, $0x1;
	v33 =	vmul.f32 $5.000000000e-01, v25  }
0x71: {  	v18 =	vadd.f32 v18, v19;
	v25 =	vsub.s32 $0x5F3759DF, v29;
	v29 =	vmul.f32 v35, v35  }
0x72: {  	v31 =	vadd.f32 v31, v34;
	v27 =	vsub.f32 v17, v27;
	v19 =	vmul.f32 v25, v33  }
0x73: {  	v24 =	vmul.f32 v24, v24;
	v22 =	vsel vm0, $0x0, v22;
	v28 =	vmul.f32 v28, v37  }
0x74: {  	v34 =	vmul.f32 v26, v26;
	v18 =	vadd.f32 v18, v22;
	v19 =	vmul.f32 v25, v19  }
0x75: {  	v22 =	vadd.f32 v29, v31;
	v31 =	vmul.f32 v28, v14;
	v28 =	vsel vm0, $0x0, v30  }
0x76: {  	v27 =	vmul.f32 v27, v27;
	v29 =	vsub.f32 $1.500000000e+00, v19;
	v19 =	vadd.f32 v18, v28  }
0x77: {  	v24 =	vadd.f32 v23, v24;
	v23 =	vmul.f32 $5.000000000e-01, v22;
	v28 =	vshra.s32 v22, $0x1  }
0x78: {  	v20 =	vmul.f32 v20, v32;
	v18 =	vmul.f32 v25, v29;
	v25 =	vsub.s32 $0x5F3759DF, v28  }
.Ltmp6:
0x79: {  	v22 =	vmul.f32 v34, v34;
	v29 =	vadd.f32 v27, v24;
	v30 =	vmul.f32 v25, v23;
	(pc) =	sbr.rel @p2 .LBB2_7-.Ltmp6, $4  }
0x7a: {  	v20 =	vsub.f32 $1.500000000e+00, v20;
	v27 =	vmul.f32 v18, v33;
	v33 =	vmul.f32 v31, v31  }
0x7b: {  	v28 =	vmul.f32 v22, v34;
	v24 =	vmul.f32 v26, v6;
	v35 =	vshra.s32 v29, $0x1  }
0x7c: {  	v22 =	vsub.s32 $0x5F3759DF, v35;
	v26 =	vmul.f32 v27, v18;
	v27 =	vmul.f32 v20, v32  }
0x7d: {  	s18 =	sadd.s32 $0x3, s18;
	v20 =	vmul.f32 $5.000000000e-01, v29;
	v29 =	vmul.f32 v25, v30;
	v30 =	vsub.f32 v33, v31  }
0x7e: {  	s15 =	smov.u32 s14;
	s14 =	smov.u32 s16  }
.LBB2_9:
0x7f: {  	v15 =	vmul.f32 v22, v20;
	_ =	sdelay $0x1  }
0x80: {  	v15 =	vmul.f32 v22, v15;
	_ =	sdelay $0x1  }
0x81: {  	v15 =	vsub.f32 $1.500000000e+00, v15  }
0x82: {  	v16 =	vsub.f32 $1.500000000e+00, v29  }
0x83: {  	v17 =	vmul.f32 @p1 v27, v27;
	v15 =	vmul.f32 v22, v15  }
0x84: {  	v21 =	vmul.f32 @p1 v21, v13;
	v26 =	vsub.f32 $1.500000000e+00, v26;
	v16 =	vmul.f32 v25, v16  }
0x85: {  	v25 =	vmul.f32 @p1 v17, v17;
	v48 =	vmul.f32 v15, v20  }
0x86: {  	v18 =	vmul.f32 v26, v18;
	v26 =	vmul.f32 @p1 v27, v8  }
0x87: {  	v23 =	vmul.f32 v16, v23;
	v20 =	vmul.f32 v48, v15  }
0x88: {  	v17 =	vmul.f32 @p1 v25, v17;
	v49 =	vmul.f32 v18, v18  }
0x89: {  	v6 =	vmul.f32 v18, v6;
	v23 =	vmul.f32 v23, v16;
	v20 =	vsub.f32 $1.500000000e+00, v20  }
0x8a: {  	v22 =	vmul.f32 @p1 v28, v10;
	v28 =	vmul.f32 @p1 v30, v11  }
0x8b: {  	v17 =	vmul.f32 @p1 v17, v12;
	v23 =	vsub.f32 $1.500000000e+00, v23;
	v15 =	vmul.f32 v20, v15  }
0x8c: {  	v50 =	vmul.f32 v49, v49;
	v25 =	vmul.f32 @p1 v22, v22  }
0x8d: {  	v16 =	vmul.f32 v23, v16;
	v51 =	vmul.f32 v15, v15  }
0x8e: {  	v23 =	vmul.f32 v50, v49;
	v20 =	vsub.f32 @p1 v25, v22;
	v22 =	vmul.f32 @p1 v17, v17  }
0x8f: {  	v52 =	vmul.f32 v16, v16;
	v53 =	vmul.f32 v51, v51  }
0x90: {  	s15 =	sadd.s32 @p1 $0x12, s15;
	v55 =	vmul.f32 v23, v10;
	v20 =	vmul.f32 @p1 v20, v5;
	v17 =	vsub.f32 @p1 v22, v17  }
0x91: {  	vm0 =	vlt.u32 @p1 v9, s15;
	v54 =	vmul.f32 v52, v52;
	v56 =	vmul.f32 v53, v51  }
0x92: {  	s14 =	sadd.s32 $0x12, s14;
	v57 =	vmul.f32 v55, v55;
	v17 =	vmul.f32 @p1 v17, v7;
	v20 =	vadd.f32 @p1 v20, v24  }
0x93: {  	vm15 =	vlt.u32 v9, s14;
	v22 =	vmul.f32 v54, v52;
	v58 =	vmul.f32 v56, v12  }
0x94: {  	v10 =	vsub.f32 v57, v55;
	v17 =	vadd.f32 @p1 v17, v26;
	v20 =	vsel @p1 vm0, $0x0, v20  }
0x95: {  	v14 =	vmul.f32 v22, v14;
	v19 =	vadd.f32 @p1 v20, v19;
	v59 =	vmul.f32 v58, v58  }
0x96: {  	v21 =	vadd.f32 @p1 v28, v21;
	v5 =	vmul.f32 v10, v5;
	v17 =	vsel @p1 vm0, $0x0, v17  }
0x97: {  	v60 =	vmul.f32 v14, v14;
	v17 =	vadd.f32 @p1 v19, v17;
	v61 =	vsub.f32 v59, v58  }
0x98: {  	v62 =	vmul.f32 v15, v8;
	v5 =	vadd.f32 v5, v6;
	v19 =	vsel @p1 vm0, $0x0, v21  }
0x99: {  	v14 =	vsub.f32 v60, v14;
	v12 =	vadd.f32 @p1 v17, v19;
	v7 =	vmul.f32 v61, v7  }
0x9a: {  	s13 =	sadd.s32 $0x1, s13;
	v6 =	vmul.f32 v16, v13;
	v5 =	vsel vm15, $0x0, v5  }
0x9b: {  	v63 =	vmul.f32 v14, v11;
	v4 =	vpsel p1, v12, v4;
	p1 =	sne.s32 s13, $0x6;
	v7 =	vadd.f32 v7, v62  }
.Ltmp7:
0x9c: {  	v4 =	vadd.f32 v5, v4;
	(pc) =	sbr.rel @p1 .LBB2_3-.Ltmp7, $4  }
.Ltmp8:
0x9d: {  	v5 =	vadd.f32 v63, v6;
	v6 =	vsel vm15, $0x0, v7;
	(pc) =	sbr.rel @!p1 .LBB2_10-.Ltmp8, $4  }
0x9e: {  	v4 =	vadd.f32 v4, v6  }
0x9f: {  	v5 =	vsel vm15, $0x0, v5  }
0xa0: {  	s12 =	sadd.s32 $0x5, s12;
	v4 =	vadd.f32 v4, v5  }
0xa1: {  	_ = 	snop  }
.LBB2_4:
.Ltmp9:
0xa2: {  	(pc) =	sbr.rel .LBB2_9-.Ltmp9, $2  }
0xa3: {  	_ =	sdelay $0x2  }
0xa4: {  	v19 =	vmov v4  }
.LBB2_6:
.Ltmp10:
0xa5: {  	(pc) =	sbr.rel .LBB2_9-.Ltmp10, $2  }
0xa6: {  	_ =	sdelay $0x2  }
0xa7: {  	s15 =	simm.s32 $0xFFFFFFF1;
	s14 =	simm.s32 $0xFFFFFFF4;
	v19 =	vmov v4  }
.LBB2_12:
0xa8: {  	_ =	sfence.sel $0x180000  }
0xa9: {  	[bflag:$0x0] =	sbarrier.arrive $0xFFFF  }
0xaa: {  	p0 =	sne.s32 s0, $0x0;
	_ =	strace $0x90000047  }
0xab: {  	s0 =	sadd.s32 @!p0 $0x100000, s1;
	[bflag:$0x2] =	sbarrier.arrive $0xFFFF  }
0xac: {  	[sflag:s0] =	ssyncadd.tile.s32 @!p0 $0x1;
	_ =	shalt  }
.Lfunc_end2:
_tile_overlayer_lowered:
.L_overlay_start_2:
0xad: {  	(tag) =	ssettag $0x2  }
0xae: {  	s0 =	rddreg [dreg:$0x0];
	s2 =	stileid.u32  }
0xaf: {  	s1 =	rddreg [dreg:$0x1];
	p0 =	sne.s32 s2, $0x0  }
0xb0: {  	s3 =	rddreg [dreg:$0x2];
	[bflag:$0x3] =	sbarrier.arrive $0xFFFF;
	s2 =	simm.s32 @!p0 $0x1C02  }
0xb1: {  	[timem:s3], [sflag:s2] =	dma.local @!p0 [hbm:s0], s1  }
0xb2: {  	s0 =	simm.s32 @!p0 $0x2  }
0xb3: {  	_ =	swait.ge @!p0 [sflag:s0], s1  }
0xb4: {  	s1 =	ssub.s32 @!p0 $0x0, s1;
	[sflag:s0] =	ssyncset.done @!p0 $0x0  }
0xb5: {  	[sflag:s0] =	ssyncadd.s32 @!p0 s1  }
0xb6: {  	[bflag:$0x3] =	sbarrier.arrive $0xFFFF  }
0xb7: {  	_ =	shalt  }

</sc_bundles>
